<compile_context>
chip_gen: v7x
topology: tpu7x:2x2x1
jax: 0.10.2.dev20260603
libtpu: 0.0.44.dev20260713+nightly
codegen_flags: <defaults>
</compile_context>

<pallas_src>
import functools

import jax
import jax.numpy as jnp
from jax import lax
from jax.experimental import pallas as pl
from jax.experimental.pallas import tpu as pltpu
from jax.experimental.pallas import tpu_sc as plsc

VOCAB = 1000000
DIM = 64
B = 16384

_INFO = plsc.get_sparse_core_info()
NC = _INFO.num_cores
NS = _INFO.num_subcores
L = _INFO.num_lanes
NW = NC * NS
BPW = B // NW
CHUNK = 128
NCHUNK = BPW // CHUNK
NGROUP = BPW // L


def _glove_body(center_hbm, target_hbm, coocs_hbm, weights_hbm,
                embv_hbm, embu_hbm, vb_hbm, ub_hbm, out_hbm,
                cidx, tidx, vrows, urows, cb, tb, cc, ww, accv, sem):
    wid = lax.axis_index("s") * NC + lax.axis_index("c")

    pltpu.sync_copy(center_hbm.at[wid], cidx)
    pltpu.sync_copy(target_hbm.at[wid], tidx)
    pltpu.sync_copy(coocs_hbm.at[wid], cc)
    pltpu.sync_copy(weights_hbm.at[wid], ww)

    for j in range(NCHUNK):
        rs = pl.ds(j * CHUNK, CHUNK)
        pltpu.async_copy(embv_hbm.at[cidx.at[j]], vrows.at[rs], sem).wait()
        pltpu.async_copy(embu_hbm.at[tidx.at[j]], urows.at[rs], sem).wait()
        pltpu.async_copy(vb_hbm.at[cidx.at[j]], cb.at[rs], sem).wait()
        pltpu.async_copy(ub_hbm.at[tidx.at[j]], tb.at[rs], sem).wait()

    def body(g, acc):
        rows = g * L + lax.iota(jnp.int32, L)
        dot = jnp.zeros((L,), jnp.float32)
        for d in range(DIM):
            col = jnp.full((L,), d, jnp.int32)
            vv = plsc.load_gather(vrows, [rows, col])
            uu = plsc.load_gather(urows, [rows, col])
            dot = dot + vv * uu
        s = pl.ds(g * L, L)
        r = dot + cb[s] + tb[s] - cc[s]
        return acc + ww[s] * r * r

    total = lax.fori_loop(0, NGROUP, body, jnp.zeros((L,), jnp.float32))
    accv[...] = total
    pltpu.sync_copy(accv, out_hbm.at[wid])


@jax.jit
def _glove_sc(center, target, coocs, weights, emb_v, emb_u, vb, ub):
    mesh = plsc.VectorSubcoreMesh(core_axis_name="c", subcore_axis_name="s")
    fn = pl.kernel(
        _glove_body,
        mesh=mesh,
        compiler_params=pltpu.CompilerParams(
            needs_layout_passes=False, use_tc_tiling_on_sc=False),
        out_type=jax.ShapeDtypeStruct((NW, L), jnp.float32),
        scratch_types=[
            pltpu.VMEM((NCHUNK, CHUNK), jnp.int32),
            pltpu.VMEM((NCHUNK, CHUNK), jnp.int32),
            pltpu.VMEM((BPW, DIM), jnp.float32),
            pltpu.VMEM((BPW, DIM), jnp.float32),
            pltpu.VMEM((BPW,), jnp.float32),
            pltpu.VMEM((BPW,), jnp.float32),
            pltpu.VMEM((BPW,), jnp.float32),
            pltpu.VMEM((BPW,), jnp.float32),
            pltpu.VMEM((L,), jnp.float32),
            pltpu.SemaphoreType.DMA,
        ],
    )
    return fn(center, target, coocs, weights, emb_v, emb_u, vb, ub)


def kernel(center_words, target_words, coocs, weights, emb_v, emb_u, v_bias, u_bias):
    center = center_words.reshape(NW, NCHUNK, CHUNK)
    target = target_words.reshape(NW, NCHUNK, CHUNK)
    cc = coocs.reshape(NW, BPW)
    ww = weights.reshape(NW, BPW)
    partials = _glove_sc(center, target, cc, ww, emb_v, emb_u,
                         v_bias.reshape(VOCAB), u_bias.reshape(VOCAB))
    return jnp.sum(partials)

# --- scband reference (transcript-rebuilt; emitter-appended) ---
"""Pipeline reference for scband-glove-12060268167458 (READ-ONLY COPY).

The authoritative reference and input builder live on the scoring server;
editing this copy changes nothing except your own understanding.
"""

import jax, jax.numpy as jnp
import numpy as np

VOCAB = 1000000
DIM = 64
B = 16384

def setup_inputs(seed: int = 0) -> dict:
    key = jax.random.key(seed)
    k1, k2, k3, k4, k5, k6, k7, k8 = jax.random.split(key, 8)
    initrange = (2.0 / (VOCAB + DIM)) ** 0.5
    center_words = jax.random.randint(k1, (B, 1), 0, VOCAB, dtype=jnp.int64 if jax.config.jax_enable_x64 else jnp.int32).astype(jnp.int32)
    target_words = jax.random.randint(k2, (B, 1), 0, VOCAB).astype(jnp.int32)
    coocs = jax.random.normal(k3, (B, 1), dtype=jnp.float32)
    weights = jax.random.uniform(k4, (B, 1), dtype=jnp.float32)
    emb_v = jax.random.uniform(k5, (VOCAB, DIM), dtype=jnp.float32, minval=-initrange, maxval=initrange)
    emb_u = jax.random.uniform(k6, (VOCAB, DIM), dtype=jnp.float32, minval=-initrange, maxval=initrange)
    v_bias = jax.random.uniform(k7, (VOCAB, 1), dtype=jnp.float32, minval=-initrange, maxval=initrange)
    u_bias = jax.random.uniform(k8, (VOCAB, 1), dtype=jnp.float32, minval=-initrange, maxval=initrange)
    return {"center_words": center_words, "target_words": target_words, "coocs": coocs, "weights": weights, "emb_v": emb_v, "emb_u": emb_u, "v_bias": v_bias, "u_bias": u_bias}

def reference(center_words, target_words, coocs, weights, emb_v, emb_u, v_bias, u_bias):
    # embedding lookups (gather)
    center_embeds = jnp.take(emb_v, center_words, axis=0)   # [B, 1, D]
    target_embeds = jnp.take(emb_u, target_words, axis=0)   # [B, 1, D]
    center_bias = jnp.squeeze(jnp.take(v_bias, center_words, axis=0), axis=1)  # [B, 1]
    target_bias = jnp.squeeze(jnp.take(u_bias, target_words, axis=0), axis=1)  # [B, 1]
    # bmm(target_embeds, center_embeds.transpose(1,2)) -> [B, 1, 1], squeeze(2) -> [B, 1]
    inner_product = jnp.squeeze(jnp.einsum('bij,bkj->bik', target_embeds, center_embeds), axis=2)
    loss = weights * jnp.square(inner_product + center_bias + target_bias - coocs)
    return jnp.sum(loss)

if __name__ == "__main__":
    import jax
    _d = setup_inputs()
    print(jax.jit(kernel)(*tuple(_d.values())))

</pallas_src>

<mosaic_0001>
#map = affine_map<(d0, d1) -> (0, 0, 0)>
#map1 = affine_map<(d0, d1) -> (0, 0)>
#map2 = affine_map<(d0, d1) -> (0)>
module attributes {stable_mosaic.version = 14 : i64} {
  func.func @_glove_body(%arg0: i32, %arg1: i32, %arg2: memref<32x4x128xi32, #tpu.memory_space<hbm>>, %arg3: memref<32x4x128xi32, #tpu.memory_space<hbm>>, %arg4: memref<32x512xf32, #tpu.memory_space<hbm>>, %arg5: memref<32x512xf32, #tpu.memory_space<hbm>>, %arg6: memref<1000000x64xf32, #tpu.memory_space<hbm>>, %arg7: memref<1000000x64xf32, #tpu.memory_space<hbm>>, %arg8: memref<1000000xf32, #tpu.memory_space<hbm>>, %arg9: memref<1000000xf32, #tpu.memory_space<hbm>>, %arg10: memref<32x16xf32, #tpu.memory_space<hbm>>, %arg11: memref<4x128xi32, #tpu.memory_space<vmem>>, %arg12: memref<4x128xi32, #tpu.memory_space<vmem>>, %arg13: memref<512x64xf32, #tpu.memory_space<vmem>>, %arg14: memref<512x64xf32, #tpu.memory_space<vmem>>, %arg15: memref<512xf32, #tpu.memory_space<vmem>>, %arg16: memref<512xf32, #tpu.memory_space<vmem>>, %arg17: memref<512xf32, #tpu.memory_space<vmem>>, %arg18: memref<512xf32, #tpu.memory_space<vmem>>, %arg19: memref<16xf32, #tpu.memory_space<vmem>>, %arg20: memref<!tpu.dma_semaphore, #tpu.memory_space<semaphore_mem>>) attributes {dimension_semantics = [#tpu.dimension_semantics<core_parallel>, #tpu.dimension_semantics<subcore_parallel>], iteration_bounds = array<i64: 2, 16>, scalar_prefetch = 0 : i64, scratch_operands = 10 : i64, tpu.core_type = #tpu.core_type<sc_vector_subcore>, window_params = [{transform_indices = #map}, {transform_indices = #map}, {transform_indices = #map1}, {transform_indices = #map1}, {transform_indices = #map1}, {transform_indices = #map1}, {transform_indices = #map2}, {transform_indices = #map2}, {transform_indices = #map1}]} {
    %mul3A = arith.constant 2 : i32
    %mul3A_0 = arith.muli %arg1, %mul3A : i32
    %add3A = arith.addi %mul3A_0, %arg0 : i32
    "tpu.region"() ({
      %run_scoped3A = tpu.sem_alloc : memref<!tpu.dma_semaphore, #tpu.memory_space<semaphore_mem>>
      %dma_start3A_294 = arith.constant 0 : i32
      %dma_start3A_295 = arith.constant 0 : i32
      %dma_start3A_296 = tpu.memref_slice %arg2[%add3A, %dma_start3A_294, %dma_start3A_295] : memref<32x4x128xi32, #tpu.memory_space<hbm>> -> memref<1x4x128xi32, #tpu.memory_space<hbm>>
      %dma_start3A_297 = tpu.memref_squeeze %dma_start3A_296 : memref<1x4x128xi32, #tpu.memory_space<hbm>> -> memref<4x128xi32, #tpu.memory_space<hbm>>
      %dma_start3A_298 = arith.constant 0 : i32
      %dma_start3A_299 = arith.constant 0 : i32
      %dma_start3A_300 = tpu.memref_slice %arg2[%add3A, %dma_start3A_298, %dma_start3A_299] : memref<32x4x128xi32, #tpu.memory_space<hbm>> -> memref<1x4x128xi32, #tpu.memory_space<hbm>>
      %dma_start3A_301 = tpu.memref_squeeze %dma_start3A_300 : memref<1x4x128xi32, #tpu.memory_space<hbm>> -> memref<4x128xi32, #tpu.memory_space<hbm>>
      tpu.enqueue_dma source(%dma_start3A_301 : memref<4x128xi32, #tpu.memory_space<hbm>>) target(%arg11 : memref<4x128xi32, #tpu.memory_space<vmem>>) target_semaphore(%run_scoped3A : memref<!tpu.dma_semaphore, #tpu.memory_space<semaphore_mem>>)
      %dma_wait3A_302 = arith.constant 0 : i32
      %dma_wait3A_303 = arith.constant 0 : i32
      %dma_wait3A_304 = tpu.memref_slice %arg2[%add3A, %dma_wait3A_302, %dma_wait3A_303] : memref<32x4x128xi32, #tpu.memory_space<hbm>> -> memref<1x4x128xi32, #tpu.memory_space<hbm>>
      %dma_wait3A_305 = tpu.memref_squeeze %dma_wait3A_304 : memref<1x4x128xi32, #tpu.memory_space<hbm>> -> memref<4x128xi32, #tpu.memory_space<hbm>>
      %dma_wait3A_306 = arith.constant 0 : i32
      %dma_wait3A_307 = arith.constant 0 : i32
      %dma_wait3A_308 = tpu.memref_slice %arg2[%add3A, %dma_wait3A_306, %dma_wait3A_307] : memref<32x4x128xi32, #tpu.memory_space<hbm>> -> memref<1x4x128xi32, #tpu.memory_space<hbm>>
      %dma_wait3A_309 = tpu.memref_squeeze %dma_wait3A_308 : memref<1x4x128xi32, #tpu.memory_space<hbm>> -> memref<4x128xi32, #tpu.memory_space<hbm>>
      tpu.wait_dma2 semaphore(%run_scoped3A : memref<!tpu.dma_semaphore, #tpu.memory_space<semaphore_mem>>) src(%dma_wait3A_309 : memref<4x128xi32, #tpu.memory_space<hbm>>) dst(%arg11 : memref<4x128xi32, #tpu.memory_space<vmem>>)
      tpu.yield
    }) : () -> ()
    "tpu.region"() ({
      %run_scoped3A = tpu.sem_alloc : memref<!tpu.dma_semaphore, #tpu.memory_space<semaphore_mem>>
      %dma_start3A_294 = arith.constant 0 : i32
      %dma_start3A_295 = arith.constant 0 : i32
      %dma_start3A_296 = tpu.memref_slice %arg3[%add3A, %dma_start3A_294, %dma_start3A_295] : memref<32x4x128xi32, #tpu.memory_space<hbm>> -> memref<1x4x128xi32, #tpu.memory_space<hbm>>
      %dma_start3A_297 = tpu.memref_squeeze %dma_start3A_296 : memref<1x4x128xi32, #tpu.memory_space<hbm>> -> memref<4x128xi32, #tpu.memory_space<hbm>>
      %dma_start3A_298 = arith.constant 0 : i32
      %dma_start3A_299 = arith.constant 0 : i32
      %dma_start3A_300 = tpu.memref_slice %arg3[%add3A, %dma_start3A_298, %dma_start3A_299] : memref<32x4x128xi32, #tpu.memory_space<hbm>> -> memref<1x4x128xi32, #tpu.memory_space<hbm>>
      %dma_start3A_301 = tpu.memref_squeeze %dma_start3A_300 : memref<1x4x128xi32, #tpu.memory_space<hbm>> -> memref<4x128xi32, #tpu.memory_space<hbm>>
      tpu.enqueue_dma source(%dma_start3A_301 : memref<4x128xi32, #tpu.memory_space<hbm>>) target(%arg12 : memref<4x128xi32, #tpu.memory_space<vmem>>) target_semaphore(%run_scoped3A : memref<!tpu.dma_semaphore, #tpu.memory_space<semaphore_mem>>)
      %dma_wait3A_302 = arith.constant 0 : i32
      %dma_wait3A_303 = arith.constant 0 : i32
      %dma_wait3A_304 = tpu.memref_slice %arg3[%add3A, %dma_wait3A_302, %dma_wait3A_303] : memref<32x4x128xi32, #tpu.memory_space<hbm>> -> memref<1x4x128xi32, #tpu.memory_space<hbm>>
      %dma_wait3A_305 = tpu.memref_squeeze %dma_wait3A_304 : memref<1x4x128xi32, #tpu.memory_space<hbm>> -> memref<4x128xi32, #tpu.memory_space<hbm>>
      %dma_wait3A_306 = arith.constant 0 : i32
      %dma_wait3A_307 = arith.constant 0 : i32
      %dma_wait3A_308 = tpu.memref_slice %arg3[%add3A, %dma_wait3A_306, %dma_wait3A_307] : memref<32x4x128xi32, #tpu.memory_space<hbm>> -> memref<1x4x128xi32, #tpu.memory_space<hbm>>
      %dma_wait3A_309 = tpu.memref_squeeze %dma_wait3A_308 : memref<1x4x128xi32, #tpu.memory_space<hbm>> -> memref<4x128xi32, #tpu.memory_space<hbm>>
      tpu.wait_dma2 semaphore(%run_scoped3A : memref<!tpu.dma_semaphore, #tpu.memory_space<semaphore_mem>>) src(%dma_wait3A_309 : memref<4x128xi32, #tpu.memory_space<hbm>>) dst(%arg12 : memref<4x128xi32, #tpu.memory_space<vmem>>)
      tpu.yield
    }) : () -> ()
    "tpu.region"() ({
      %run_scoped3A = tpu.sem_alloc : memref<!tpu.dma_semaphore, #tpu.memory_space<semaphore_mem>>
      %dma_start3A_294 = arith.constant 0 : i32
      %dma_start3A_295 = tpu.memref_slice %arg4[%add3A, %dma_start3A_294] : memref<32x512xf32, #tpu.memory_space<hbm>> -> memref<1x512xf32, #tpu.memory_space<hbm>>
      %dma_start3A_296 = tpu.memref_squeeze %dma_start3A_295 : memref<1x512xf32, #tpu.memory_space<hbm>> -> memref<512xf32, #tpu.memory_space<hbm>>
      %dma_start3A_297 = arith.constant 0 : i32
      %dma_start3A_298 = tpu.memref_slice %arg4[%add3A, %dma_start3A_297] : memref<32x512xf32, #tpu.memory_space<hbm>> -> memref<1x512xf32, #tpu.memory_space<hbm>>
      %dma_start3A_299 = tpu.memref_squeeze %dma_start3A_298 : memref<1x512xf32, #tpu.memory_space<hbm>> -> memref<512xf32, #tpu.memory_space<hbm>>
      tpu.enqueue_dma source(%dma_start3A_299 : memref<512xf32, #tpu.memory_space<hbm>>) target(%arg17 : memref<512xf32, #tpu.memory_space<vmem>>) target_semaphore(%run_scoped3A : memref<!tpu.dma_semaphore, #tpu.memory_space<semaphore_mem>>)
      %dma_wait3A_300 = arith.constant 0 : i32
      %dma_wait3A_301 = tpu.memref_slice %arg4[%add3A, %dma_wait3A_300] : memref<32x512xf32, #tpu.memory_space<hbm>> -> memref<1x512xf32, #tpu.memory_space<hbm>>
      %dma_wait3A_302 = tpu.memref_squeeze %dma_wait3A_301 : memref<1x512xf32, #tpu.memory_space<hbm>> -> memref<512xf32, #tpu.memory_space<hbm>>
      %dma_wait3A_303 = arith.constant 0 : i32
      %dma_wait3A_304 = tpu.memref_slice %arg4[%add3A, %dma_wait3A_303] : memref<32x512xf32, #tpu.memory_space<hbm>> -> memref<1x512xf32, #tpu.memory_space<hbm>>
      %dma_wait3A_305 = tpu.memref_squeeze %dma_wait3A_304 : memref<1x512xf32, #tpu.memory_space<hbm>> -> memref<512xf32, #tpu.memory_space<hbm>>
      tpu.wait_dma2 semaphore(%run_scoped3A : memref<!tpu.dma_semaphore, #tpu.memory_space<semaphore_mem>>) src(%dma_wait3A_305 : memref<512xf32, #tpu.memory_space<hbm>>) dst(%arg17 : memref<512xf32, #tpu.memory_space<vmem>>)
      tpu.yield
    }) : () -> ()
    "tpu.region"() ({
      %run_scoped3A = tpu.sem_alloc : memref<!tpu.dma_semaphore, #tpu.memory_space<semaphore_mem>>
      %dma_start3A_294 = arith.constant 0 : i32
      %dma_start3A_295 = tpu.memref_slice %arg5[%add3A, %dma_start3A_294] : memref<32x512xf32, #tpu.memory_space<hbm>> -> memref<1x512xf32, #tpu.memory_space<hbm>>
      %dma_start3A_296 = tpu.memref_squeeze %dma_start3A_295 : memref<1x512xf32, #tpu.memory_space<hbm>> -> memref<512xf32, #tpu.memory_space<hbm>>
      %dma_start3A_297 = arith.constant 0 : i32
      %dma_start3A_298 = tpu.memref_slice %arg5[%add3A, %dma_start3A_297] : memref<32x512xf32, #tpu.memory_space<hbm>> -> memref<1x512xf32, #tpu.memory_space<hbm>>
      %dma_start3A_299 = tpu.memref_squeeze %dma_start3A_298 : memref<1x512xf32, #tpu.memory_space<hbm>> -> memref<512xf32, #tpu.memory_space<hbm>>
      tpu.enqueue_dma source(%dma_start3A_299 : memref<512xf32, #tpu.memory_space<hbm>>) target(%arg18 : memref<512xf32, #tpu.memory_space<vmem>>) target_semaphore(%run_scoped3A : memref<!tpu.dma_semaphore, #tpu.memory_space<semaphore_mem>>)
      %dma_wait3A_300 = arith.constant 0 : i32
      %dma_wait3A_301 = tpu.memref_slice %arg5[%add3A, %dma_wait3A_300] : memref<32x512xf32, #tpu.memory_space<hbm>> -> memref<1x512xf32, #tpu.memory_space<hbm>>
      %dma_wait3A_302 = tpu.memref_squeeze %dma_wait3A_301 : memref<1x512xf32, #tpu.memory_space<hbm>> -> memref<512xf32, #tpu.memory_space<hbm>>
      %dma_wait3A_303 = arith.constant 0 : i32
      %dma_wait3A_304 = tpu.memref_slice %arg5[%add3A, %dma_wait3A_303] : memref<32x512xf32, #tpu.memory_space<hbm>> -> memref<1x512xf32, #tpu.memory_space<hbm>>
      %dma_wait3A_305 = tpu.memref_squeeze %dma_wait3A_304 : memref<1x512xf32, #tpu.memory_space<hbm>> -> memref<512xf32, #tpu.memory_space<hbm>>
      tpu.wait_dma2 semaphore(%run_scoped3A : memref<!tpu.dma_semaphore, #tpu.memory_space<semaphore_mem>>) src(%dma_wait3A_305 : memref<512xf32, #tpu.memory_space<hbm>>) dst(%arg18 : memref<512xf32, #tpu.memory_space<vmem>>)
      tpu.yield
    }) : () -> ()
    %dma_start3A = arith.constant 0 : i32
    %dma_start3A_1 = arith.constant 0 : i32
    %dma_start3A_2 = arith.constant 0 : i32
    %dma_start3A_3 = tpu.memref_slice %arg13[%dma_start3A_1, %dma_start3A_2] : memref<512x64xf32, #tpu.memory_space<vmem>> -> memref<128x64xf32, #tpu.memory_space<vmem>>
    %dma_start3A_4 = arith.constant 0 : i32
    %dma_start3A_5 = tpu.memref_slice %arg11[%dma_start3A, %dma_start3A_4] : memref<4x128xi32, #tpu.memory_space<vmem>> -> memref<1x128xi32, #tpu.memory_space<vmem>>
    %dma_start3A_6 = tpu.memref_squeeze %dma_start3A_5 : memref<1x128xi32, #tpu.memory_space<vmem>> -> memref<128xi32, #tpu.memory_space<vmem>>
    %dma_start3A_7 = arith.constant 0 : i32
    %dma_start3A_8 = arith.constant 0 : i32
    %dma_start3A_9 = tpu.memref_slice %arg6[%dma_start3A_7, %dma_start3A_8] : memref<1000000x64xf32, #tpu.memory_space<hbm>> -> memref<1000000x64xf32, #tpu.memory_space<hbm>>
    tpu.enqueue_indirect_dma source(%dma_start3A_9 : memref<1000000x64xf32, #tpu.memory_space<hbm>>) target(%dma_start3A_3 : memref<128x64xf32, #tpu.memory_space<vmem>>) offsets(%dma_start3A_6 : memref<128xi32, #tpu.memory_space<vmem>>) semaphore(%arg20 : memref<!tpu.dma_semaphore, #tpu.memory_space<semaphore_mem>>)
    %dma_wait3A = arith.constant 0 : i32
    %dma_wait3A_10 = arith.constant 0 : i32
    %dma_wait3A_11 = arith.constant 0 : i32
    %dma_wait3A_12 = tpu.memref_slice %arg13[%dma_wait3A_10, %dma_wait3A_11] : memref<512x64xf32, #tpu.memory_space<vmem>> -> memref<128x64xf32, #tpu.memory_space<vmem>>
    %dma_wait3A_13 = arith.constant 0 : i32
    %dma_wait3A_14 = tpu.memref_slice %arg11[%dma_wait3A, %dma_wait3A_13] : memref<4x128xi32, #tpu.memory_space<vmem>> -> memref<1x128xi32, #tpu.memory_space<vmem>>
    %dma_wait3A_15 = tpu.memref_squeeze %dma_wait3A_14 : memref<1x128xi32, #tpu.memory_space<vmem>> -> memref<128xi32, #tpu.memory_space<vmem>>
    %dma_wait3A_16 = arith.constant 0 : i32
    %dma_wait3A_17 = arith.constant 0 : i32
    %dma_wait3A_18 = tpu.memref_slice %arg6[%dma_wait3A_16, %dma_wait3A_17] : memref<1000000x64xf32, #tpu.memory_space<hbm>> -> memref<1000000x64xf32, #tpu.memory_space<hbm>>
    tpu.wait_indirect_dma semaphore(%arg20 : memref<!tpu.dma_semaphore, #tpu.memory_space<semaphore_mem>>) src(%dma_wait3A_18 : memref<1000000x64xf32, #tpu.memory_space<hbm>>) dst(%dma_wait3A_12 : memref<128x64xf32, #tpu.memory_space<vmem>>)
    %dma_start3A_19 = arith.constant 0 : i32
    %dma_start3A_20 = arith.constant 0 : i32
    %dma_start3A_21 = arith.constant 0 : i32
    %dma_start3A_22 = tpu.memref_slice %arg14[%dma_start3A_20, %dma_start3A_21] : memref<512x64xf32, #tpu.memory_space<vmem>> -> memref<128x64xf32, #tpu.memory_space<vmem>>
    %dma_start3A_23 = arith.constant 0 : i32
    %dma_start3A_24 = tpu.memref_slice %arg12[%dma_start3A_19, %dma_start3A_23] : memref<4x128xi32, #tpu.memory_space<vmem>> -> memref<1x128xi32, #tpu.memory_space<vmem>>
    %dma_start3A_25 = tpu.memref_squeeze %dma_start3A_24 : memref<1x128xi32, #tpu.memory_space<vmem>> -> memref<128xi32, #tpu.memory_space<vmem>>
    %dma_start3A_26 = arith.constant 0 : i32
    %dma_start3A_27 = arith.constant 0 : i32
    %dma_start3A_28 = tpu.memref_slice %arg7[%dma_start3A_26, %dma_start3A_27] : memref<1000000x64xf32, #tpu.memory_space<hbm>> -> memref<1000000x64xf32, #tpu.memory_space<hbm>>
    tpu.enqueue_indirect_dma source(%dma_start3A_28 : memref<1000000x64xf32, #tpu.memory_space<hbm>>) target(%dma_start3A_22 : memref<128x64xf32, #tpu.memory_space<vmem>>) offsets(%dma_start3A_25 : memref<128xi32, #tpu.memory_space<vmem>>) semaphore(%arg20 : memref<!tpu.dma_semaphore, #tpu.memory_space<semaphore_mem>>)
    %dma_wait3A_29 = arith.constant 0 : i32
    %dma_wait3A_30 = arith.constant 0 : i32
    %dma_wait3A_31 = arith.constant 0 : i32
    %dma_wait3A_32 = tpu.memref_slice %arg14[%dma_wait3A_30, %dma_wait3A_31] : memref<512x64xf32, #tpu.memory_space<vmem>> -> memref<128x64xf32, #tpu.memory_space<vmem>>
    %dma_wait3A_33 = arith.constant 0 : i32
    %dma_wait3A_34 = tpu.memref_slice %arg12[%dma_wait3A_29, %dma_wait3A_33] : memref<4x128xi32, #tpu.memory_space<vmem>> -> memref<1x128xi32, #tpu.memory_space<vmem>>
    %dma_wait3A_35 = tpu.memref_squeeze %dma_wait3A_34 : memref<1x128xi32, #tpu.memory_space<vmem>> -> memref<128xi32, #tpu.memory_space<vmem>>
    %dma_wait3A_36 = arith.constant 0 : i32
    %dma_wait3A_37 = arith.constant 0 : i32
    %dma_wait3A_38 = tpu.memref_slice %arg7[%dma_wait3A_36, %dma_wait3A_37] : memref<1000000x64xf32, #tpu.memory_space<hbm>> -> memref<1000000x64xf32, #tpu.memory_space<hbm>>
    tpu.wait_indirect_dma semaphore(%arg20 : memref<!tpu.dma_semaphore, #tpu.memory_space<semaphore_mem>>) src(%dma_wait3A_38 : memref<1000000x64xf32, #tpu.memory_space<hbm>>) dst(%dma_wait3A_32 : memref<128x64xf32, #tpu.memory_space<vmem>>)
    %dma_start3A_39 = arith.constant 0 : i32
    %dma_start3A_40 = arith.constant 0 : i32
    %dma_start3A_41 = tpu.memref_slice %arg15[%dma_start3A_40] : memref<512xf32, #tpu.memory_space<vmem>> -> memref<128xf32, #tpu.memory_space<vmem>>
    %dma_start3A_42 = arith.constant 0 : i32
    %dma_start3A_43 = tpu.memref_slice %arg11[%dma_start3A_39, %dma_start3A_42] : memref<4x128xi32, #tpu.memory_space<vmem>> -> memref<1x128xi32, #tpu.memory_space<vmem>>
    %dma_start3A_44 = tpu.memref_squeeze %dma_start3A_43 : memref<1x128xi32, #tpu.memory_space<vmem>> -> memref<128xi32, #tpu.memory_space<vmem>>
    %dma_start3A_45 = arith.constant 0 : i32
    %dma_start3A_46 = tpu.memref_slice %arg8[%dma_start3A_45] : memref<1000000xf32, #tpu.memory_space<hbm>> -> memref<1000000xf32, #tpu.memory_space<hbm>>
    tpu.enqueue_indirect_dma source(%dma_start3A_46 : memref<1000000xf32, #tpu.memory_space<hbm>>) target(%dma_start3A_41 : memref<128xf32, #tpu.memory_space<vmem>>) offsets(%dma_start3A_44 : memref<128xi32, #tpu.memory_space<vmem>>) semaphore(%arg20 : memref<!tpu.dma_semaphore, #tpu.memory_space<semaphore_mem>>)
    %dma_wait3A_47 = arith.constant 0 : i32
    %dma_wait3A_48 = arith.constant 0 : i32
    %dma_wait3A_49 = tpu.memref_slice %arg15[%dma_wait3A_48] : memref<512xf32, #tpu.memory_space<vmem>> -> memref<128xf32, #tpu.memory_space<vmem>>
    %dma_wait3A_50 = arith.constant 0 : i32
    %dma_wait3A_51 = tpu.memref_slice %arg11[%dma_wait3A_47, %dma_wait3A_50] : memref<4x128xi32, #tpu.memory_space<vmem>> -> memref<1x128xi32, #tpu.memory_space<vmem>>
    %dma_wait3A_52 = tpu.memref_squeeze %dma_wait3A_51 : memref<1x128xi32, #tpu.memory_space<vmem>> -> memref<128xi32, #tpu.memory_space<vmem>>
    %dma_wait3A_53 = arith.constant 0 : i32
    %dma_wait3A_54 = tpu.memref_slice %arg8[%dma_wait3A_53] : memref<1000000xf32, #tpu.memory_space<hbm>> -> memref<1000000xf32, #tpu.memory_space<hbm>>
    tpu.wait_indirect_dma semaphore(%arg20 : memref<!tpu.dma_semaphore, #tpu.memory_space<semaphore_mem>>) src(%dma_wait3A_54 : memref<1000000xf32, #tpu.memory_space<hbm>>) dst(%dma_wait3A_49 : memref<128xf32, #tpu.memory_space<vmem>>)
    %dma_start3A_55 = arith.constant 0 : i32
    %dma_start3A_56 = arith.constant 0 : i32
    %dma_start3A_57 = tpu.memref_slice %arg16[%dma_start3A_56] : memref<512xf32, #tpu.memory_space<vmem>> -> memref<128xf32, #tpu.memory_space<vmem>>
    %dma_start3A_58 = arith.constant 0 : i32
    %dma_start3A_59 = tpu.memref_slice %arg12[%dma_start3A_55, %dma_start3A_58] : memref<4x128xi32, #tpu.memory_space<vmem>> -> memref<1x128xi32, #tpu.memory_space<vmem>>
    %dma_start3A_60 = tpu.memref_squeeze %dma_start3A_59 : memref<1x128xi32, #tpu.memory_space<vmem>> -> memref<128xi32, #tpu.memory_space<vmem>>
    %dma_start3A_61 = arith.constant 0 : i32
    %dma_start3A_62 = tpu.memref_slice %arg9[%dma_start3A_61] : memref<1000000xf32, #tpu.memory_space<hbm>> -> memref<1000000xf32, #tpu.memory_space<hbm>>
    tpu.enqueue_indirect_dma source(%dma_start3A_62 : memref<1000000xf32, #tpu.memory_space<hbm>>) target(%dma_start3A_57 : memref<128xf32, #tpu.memory_space<vmem>>) offsets(%dma_start3A_60 : memref<128xi32, #tpu.memory_space<vmem>>) semaphore(%arg20 : memref<!tpu.dma_semaphore, #tpu.memory_space<semaphore_mem>>)
    %dma_wait3A_63 = arith.constant 0 : i32
    %dma_wait3A_64 = arith.constant 0 : i32
    %dma_wait3A_65 = tpu.memref_slice %arg16[%dma_wait3A_64] : memref<512xf32, #tpu.memory_space<vmem>> -> memref<128xf32, #tpu.memory_space<vmem>>
    %dma_wait3A_66 = arith.constant 0 : i32
    %dma_wait3A_67 = tpu.memref_slice %arg12[%dma_wait3A_63, %dma_wait3A_66] : memref<4x128xi32, #tpu.memory_space<vmem>> -> memref<1x128xi32, #tpu.memory_space<vmem>>
    %dma_wait3A_68 = tpu.memref_squeeze %dma_wait3A_67 : memref<1x128xi32, #tpu.memory_space<vmem>> -> memref<128xi32, #tpu.memory_space<vmem>>
    %dma_wait3A_69 = arith.constant 0 : i32
    %dma_wait3A_70 = tpu.memref_slice %arg9[%dma_wait3A_69] : memref<1000000xf32, #tpu.memory_space<hbm>> -> memref<1000000xf32, #tpu.memory_space<hbm>>
    tpu.wait_indirect_dma semaphore(%arg20 : memref<!tpu.dma_semaphore, #tpu.memory_space<semaphore_mem>>) src(%dma_wait3A_70 : memref<1000000xf32, #tpu.memory_space<hbm>>) dst(%dma_wait3A_65 : memref<128xf32, #tpu.memory_space<vmem>>)
    %dma_start3A_71 = arith.constant 1 : i32
    %dma_start3A_72 = arith.constant 128 : i32
    %dma_start3A_73 = arith.constant 0 : i32
    %dma_start3A_74 = tpu.memref_slice %arg13[%dma_start3A_72, %dma_start3A_73] : memref<512x64xf32, #tpu.memory_space<vmem>> -> memref<128x64xf32, #tpu.memory_space<vmem>>
    %dma_start3A_75 = arith.constant 0 : i32
    %dma_start3A_76 = tpu.memref_slice %arg11[%dma_start3A_71, %dma_start3A_75] : memref<4x128xi32, #tpu.memory_space<vmem>> -> memref<1x128xi32, #tpu.memory_space<vmem>>
    %dma_start3A_77 = tpu.memref_squeeze %dma_start3A_76 : memref<1x128xi32, #tpu.memory_space<vmem>> -> memref<128xi32, #tpu.memory_space<vmem>>
    %dma_start3A_78 = arith.constant 0 : i32
    %dma_start3A_79 = arith.constant 0 : i32
    %dma_start3A_80 = tpu.memref_slice %arg6[%dma_start3A_78, %dma_start3A_79] : memref<1000000x64xf32, #tpu.memory_space<hbm>> -> memref<1000000x64xf32, #tpu.memory_space<hbm>>
    tpu.enqueue_indirect_dma source(%dma_start3A_80 : memref<1000000x64xf32, #tpu.memory_space<hbm>>) target(%dma_start3A_74 : memref<128x64xf32, #tpu.memory_space<vmem>>) offsets(%dma_start3A_77 : memref<128xi32, #tpu.memory_space<vmem>>) semaphore(%arg20 : memref<!tpu.dma_semaphore, #tpu.memory_space<semaphore_mem>>)
    %dma_wait3A_81 = arith.constant 1 : i32
    %dma_wait3A_82 = arith.constant 128 : i32
    %dma_wait3A_83 = arith.constant 0 : i32
    %dma_wait3A_84 = tpu.memref_slice %arg13[%dma_wait3A_82, %dma_wait3A_83] : memref<512x64xf32, #tpu.memory_space<vmem>> -> memref<128x64xf32, #tpu.memory_space<vmem>>
    %dma_wait3A_85 = arith.constant 0 : i32
    %dma_wait3A_86 = tpu.memref_slice %arg11[%dma_wait3A_81, %dma_wait3A_85] : memref<4x128xi32, #tpu.memory_space<vmem>> -> memref<1x128xi32, #tpu.memory_space<vmem>>
    %dma_wait3A_87 = tpu.memref_squeeze %dma_wait3A_86 : memref<1x128xi32, #tpu.memory_space<vmem>> -> memref<128xi32, #tpu.memory_space<vmem>>
    %dma_wait3A_88 = arith.constant 0 : i32
    %dma_wait3A_89 = arith.constant 0 : i32
    %dma_wait3A_90 = tpu.memref_slice %arg6[%dma_wait3A_88, %dma_wait3A_89] : memref<1000000x64xf32, #tpu.memory_space<hbm>> -> memref<1000000x64xf32, #tpu.memory_space<hbm>>
    tpu.wait_indirect_dma semaphore(%arg20 : memref<!tpu.dma_semaphore, #tpu.memory_space<semaphore_mem>>) src(%dma_wait3A_90 : memref<1000000x64xf32, #tpu.memory_space<hbm>>) dst(%dma_wait3A_84 : memref<128x64xf32, #tpu.memory_space<vmem>>)
    %dma_start3A_91 = arith.constant 1 : i32
    %dma_start3A_92 = arith.constant 128 : i32
    %dma_start3A_93 = arith.constant 0 : i32
    %dma_start3A_94 = tpu.memref_slice %arg14[%dma_start3A_92, %dma_start3A_93] : memref<512x64xf32, #tpu.memory_space<vmem>> -> memref<128x64xf32, #tpu.memory_space<vmem>>
    %dma_start3A_95 = arith.constant 0 : i32
    %dma_start3A_96 = tpu.memref_slice %arg12[%dma_start3A_91, %dma_start3A_95] : memref<4x128xi32, #tpu.memory_space<vmem>> -> memref<1x128xi32, #tpu.memory_space<vmem>>
    %dma_start3A_97 = tpu.memref_squeeze %dma_start3A_96 : memref<1x128xi32, #tpu.memory_space<vmem>> -> memref<128xi32, #tpu.memory_space<vmem>>
    %dma_start3A_98 = arith.constant 0 : i32
    %dma_start3A_99 = arith.constant 0 : i32
    %dma_start3A_100 = tpu.memref_slice %arg7[%dma_start3A_98, %dma_start3A_99] : memref<1000000x64xf32, #tpu.memory_space<hbm>> -> memref<1000000x64xf32, #tpu.memory_space<hbm>>
    tpu.enqueue_indirect_dma source(%dma_start3A_100 : memref<1000000x64xf32, #tpu.memory_space<hbm>>) target(%dma_start3A_94 : memref<128x64xf32, #tpu.memory_space<vmem>>) offsets(%dma_start3A_97 : memref<128xi32, #tpu.memory_space<vmem>>) semaphore(%arg20 : memref<!tpu.dma_semaphore, #tpu.memory_space<semaphore_mem>>)
    %dma_wait3A_101 = arith.constant 1 : i32
    %dma_wait3A_102 = arith.constant 128 : i32
    %dma_wait3A_103 = arith.constant 0 : i32
    %dma_wait3A_104 = tpu.memref_slice %arg14[%dma_wait3A_102, %dma_wait3A_103] : memref<512x64xf32, #tpu.memory_space<vmem>> -> memref<128x64xf32, #tpu.memory_space<vmem>>
    %dma_wait3A_105 = arith.constant 0 : i32
    %dma_wait3A_106 = tpu.memref_slice %arg12[%dma_wait3A_101, %dma_wait3A_105] : memref<4x128xi32, #tpu.memory_space<vmem>> -> memref<1x128xi32, #tpu.memory_space<vmem>>
    %dma_wait3A_107 = tpu.memref_squeeze %dma_wait3A_106 : memref<1x128xi32, #tpu.memory_space<vmem>> -> memref<128xi32, #tpu.memory_space<vmem>>
    %dma_wait3A_108 = arith.constant 0 : i32
    %dma_wait3A_109 = arith.constant 0 : i32
    %dma_wait3A_110 = tpu.memref_slice %arg7[%dma_wait3A_108, %dma_wait3A_109] : memref<1000000x64xf32, #tpu.memory_space<hbm>> -> memref<1000000x64xf32, #tpu.memory_space<hbm>>
    tpu.wait_indirect_dma semaphore(%arg20 : memref<!tpu.dma_semaphore, #tpu.memory_space<semaphore_mem>>) src(%dma_wait3A_110 : memref<1000000x64xf32, #tpu.memory_space<hbm>>) dst(%dma_wait3A_104 : memref<128x64xf32, #tpu.memory_space<vmem>>)
    %dma_start3A_111 = arith.constant 1 : i32
    %dma_start3A_112 = arith.constant 128 : i32
    %dma_start3A_113 = tpu.memref_slice %arg15[%dma_start3A_112] : memref<512xf32, #tpu.memory_space<vmem>> -> memref<128xf32, #tpu.memory_space<vmem>>
    %dma_start3A_114 = arith.constant 0 : i32
    %dma_start3A_115 = tpu.memref_slice %arg11[%dma_start3A_111, %dma_start3A_114] : memref<4x128xi32, #tpu.memory_space<vmem>> -> memref<1x128xi32, #tpu.memory_space<vmem>>
    %dma_start3A_116 = tpu.memref_squeeze %dma_start3A_115 : memref<1x128xi32, #tpu.memory_space<vmem>> -> memref<128xi32, #tpu.memory_space<vmem>>
    %dma_start3A_117 = arith.constant 0 : i32
    %dma_start3A_118 = tpu.memref_slice %arg8[%dma_start3A_117] : memref<1000000xf32, #tpu.memory_space<hbm>> -> memref<1000000xf32, #tpu.memory_space<hbm>>
    tpu.enqueue_indirect_dma source(%dma_start3A_118 : memref<1000000xf32, #tpu.memory_space<hbm>>) target(%dma_start3A_113 : memref<128xf32, #tpu.memory_space<vmem>>) offsets(%dma_start3A_116 : memref<128xi32, #tpu.memory_space<vmem>>) semaphore(%arg20 : memref<!tpu.dma_semaphore, #tpu.memory_space<semaphore_mem>>)
    %dma_wait3A_119 = arith.constant 1 : i32
    %dma_wait3A_120 = arith.constant 128 : i32
    %dma_wait3A_121 = tpu.memref_slice %arg15[%dma_wait3A_120] : memref<512xf32, #tpu.memory_space<vmem>> -> memref<128xf32, #tpu.memory_space<vmem>>
    %dma_wait3A_122 = arith.constant 0 : i32
    %dma_wait3A_123 = tpu.memref_slice %arg11[%dma_wait3A_119, %dma_wait3A_122] : memref<4x128xi32, #tpu.memory_space<vmem>> -> memref<1x128xi32, #tpu.memory_space<vmem>>
    %dma_wait3A_124 = tpu.memref_squeeze %dma_wait3A_123 : memref<1x128xi32, #tpu.memory_space<vmem>> -> memref<128xi32, #tpu.memory_space<vmem>>
    %dma_wait3A_125 = arith.constant 0 : i32
    %dma_wait3A_126 = tpu.memref_slice %arg8[%dma_wait3A_125] : memref<1000000xf32, #tpu.memory_space<hbm>> -> memref<1000000xf32, #tpu.memory_space<hbm>>
    tpu.wait_indirect_dma semaphore(%arg20 : memref<!tpu.dma_semaphore, #tpu.memory_space<semaphore_mem>>) src(%dma_wait3A_126 : memref<1000000xf32, #tpu.memory_space<hbm>>) dst(%dma_wait3A_121 : memref<128xf32, #tpu.memory_space<vmem>>)
    %dma_start3A_127 = arith.constant 1 : i32
    %dma_start3A_128 = arith.constant 128 : i32
    %dma_start3A_129 = tpu.memref_slice %arg16[%dma_start3A_128] : memref<512xf32, #tpu.memory_space<vmem>> -> memref<128xf32, #tpu.memory_space<vmem>>
    %dma_start3A_130 = arith.constant 0 : i32
    %dma_start3A_131 = tpu.memref_slice %arg12[%dma_start3A_127, %dma_start3A_130] : memref<4x128xi32, #tpu.memory_space<vmem>> -> memref<1x128xi32, #tpu.memory_space<vmem>>
    %dma_start3A_132 = tpu.memref_squeeze %dma_start3A_131 : memref<1x128xi32, #tpu.memory_space<vmem>> -> memref<128xi32, #tpu.memory_space<vmem>>
    %dma_start3A_133 = arith.constant 0 : i32
    %dma_start3A_134 = tpu.memref_slice %arg9[%dma_start3A_133] : memref<1000000xf32, #tpu.memory_space<hbm>> -> memref<1000000xf32, #tpu.memory_space<hbm>>
    tpu.enqueue_indirect_dma source(%dma_start3A_134 : memref<1000000xf32, #tpu.memory_space<hbm>>) target(%dma_start3A_129 : memref<128xf32, #tpu.memory_space<vmem>>) offsets(%dma_start3A_132 : memref<128xi32, #tpu.memory_space<vmem>>) semaphore(%arg20 : memref<!tpu.dma_semaphore, #tpu.memory_space<semaphore_mem>>)
    %dma_wait3A_135 = arith.constant 1 : i32
    %dma_wait3A_136 = arith.constant 128 : i32
    %dma_wait3A_137 = tpu.memref_slice %arg16[%dma_wait3A_136] : memref<512xf32, #tpu.memory_space<vmem>> -> memref<128xf32, #tpu.memory_space<vmem>>
    %dma_wait3A_138 = arith.constant 0 : i32
    %dma_wait3A_139 = tpu.memref_slice %arg12[%dma_wait3A_135, %dma_wait3A_138] : memref<4x128xi32, #tpu.memory_space<vmem>> -> memref<1x128xi32, #tpu.memory_space<vmem>>
    %dma_wait3A_140 = tpu.memref_squeeze %dma_wait3A_139 : memref<1x128xi32, #tpu.memory_space<vmem>> -> memref<128xi32, #tpu.memory_space<vmem>>
    %dma_wait3A_141 = arith.constant 0 : i32
    %dma_wait3A_142 = tpu.memref_slice %arg9[%dma_wait3A_141] : memref<1000000xf32, #tpu.memory_space<hbm>> -> memref<1000000xf32, #tpu.memory_space<hbm>>
    tpu.wait_indirect_dma semaphore(%arg20 : memref<!tpu.dma_semaphore, #tpu.memory_space<semaphore_mem>>) src(%dma_wait3A_142 : memref<1000000xf32, #tpu.memory_space<hbm>>) dst(%dma_wait3A_137 : memref<128xf32, #tpu.memory_space<vmem>>)
    %dma_start3A_143 = arith.constant 2 : i32
    %dma_start3A_144 = arith.constant 256 : i32
    %dma_start3A_145 = arith.constant 0 : i32
    %dma_start3A_146 = tpu.memref_slice %arg13[%dma_start3A_144, %dma_start3A_145] : memref<512x64xf32, #tpu.memory_space<vmem>> -> memref<128x64xf32, #tpu.memory_space<vmem>>
    %dma_start3A_147 = arith.constant 0 : i32
    %dma_start3A_148 = tpu.memref_slice %arg11[%dma_start3A_143, %dma_start3A_147] : memref<4x128xi32, #tpu.memory_space<vmem>> -> memref<1x128xi32, #tpu.memory_space<vmem>>
    %dma_start3A_149 = tpu.memref_squeeze %dma_start3A_148 : memref<1x128xi32, #tpu.memory_space<vmem>> -> memref<128xi32, #tpu.memory_space<vmem>>
    %dma_start3A_150 = arith.constant 0 : i32
    %dma_start3A_151 = arith.constant 0 : i32
    %dma_start3A_152 = tpu.memref_slice %arg6[%dma_start3A_150, %dma_start3A_151] : memref<1000000x64xf32, #tpu.memory_space<hbm>> -> memref<1000000x64xf32, #tpu.memory_space<hbm>>
    tpu.enqueue_indirect_dma source(%dma_start3A_152 : memref<1000000x64xf32, #tpu.memory_space<hbm>>) target(%dma_start3A_146 : memref<128x64xf32, #tpu.memory_space<vmem>>) offsets(%dma_start3A_149 : memref<128xi32, #tpu.memory_space<vmem>>) semaphore(%arg20 : memref<!tpu.dma_semaphore, #tpu.memory_space<semaphore_mem>>)
    %dma_wait3A_153 = arith.constant 2 : i32
    %dma_wait3A_154 = arith.constant 256 : i32
    %dma_wait3A_155 = arith.constant 0 : i32
    %dma_wait3A_156 = tpu.memref_slice %arg13[%dma_wait3A_154, %dma_wait3A_155] : memref<512x64xf32, #tpu.memory_space<vmem>> -> memref<128x64xf32, #tpu.memory_space<vmem>>
    %dma_wait3A_157 = arith.constant 0 : i32
    %dma_wait3A_158 = tpu.memref_slice %arg11[%dma_wait3A_153, %dma_wait3A_157] : memref<4x128xi32, #tpu.memory_space<vmem>> -> memref<1x128xi32, #tpu.memory_space<vmem>>
    %dma_wait3A_159 = tpu.memref_squeeze %dma_wait3A_158 : memref<1x128xi32, #tpu.memory_space<vmem>> -> memref<128xi32, #tpu.memory_space<vmem>>
    %dma_wait3A_160 = arith.constant 0 : i32
    %dma_wait3A_161 = arith.constant 0 : i32
    %dma_wait3A_162 = tpu.memref_slice %arg6[%dma_wait3A_160, %dma_wait3A_161] : memref<1000000x64xf32, #tpu.memory_space<hbm>> -> memref<1000000x64xf32, #tpu.memory_space<hbm>>
    tpu.wait_indirect_dma semaphore(%arg20 : memref<!tpu.dma_semaphore, #tpu.memory_space<semaphore_mem>>) src(%dma_wait3A_162 : memref<1000000x64xf32, #tpu.memory_space<hbm>>) dst(%dma_wait3A_156 : memref<128x64xf32, #tpu.memory_space<vmem>>)
    %dma_start3A_163 = arith.constant 2 : i32
    %dma_start3A_164 = arith.constant 256 : i32
    %dma_start3A_165 = arith.constant 0 : i32
    %dma_start3A_166 = tpu.memref_slice %arg14[%dma_start3A_164, %dma_start3A_165] : memref<512x64xf32, #tpu.memory_space<vmem>> -> memref<128x64xf32, #tpu.memory_space<vmem>>
    %dma_start3A_167 = arith.constant 0 : i32
    %dma_start3A_168 = tpu.memref_slice %arg12[%dma_start3A_163, %dma_start3A_167] : memref<4x128xi32, #tpu.memory_space<vmem>> -> memref<1x128xi32, #tpu.memory_space<vmem>>
    %dma_start3A_169 = tpu.memref_squeeze %dma_start3A_168 : memref<1x128xi32, #tpu.memory_space<vmem>> -> memref<128xi32, #tpu.memory_space<vmem>>
    %dma_start3A_170 = arith.constant 0 : i32
    %dma_start3A_171 = arith.constant 0 : i32
    %dma_start3A_172 = tpu.memref_slice %arg7[%dma_start3A_170, %dma_start3A_171] : memref<1000000x64xf32, #tpu.memory_space<hbm>> -> memref<1000000x64xf32, #tpu.memory_space<hbm>>
    tpu.enqueue_indirect_dma source(%dma_start3A_172 : memref<1000000x64xf32, #tpu.memory_space<hbm>>) target(%dma_start3A_166 : memref<128x64xf32, #tpu.memory_space<vmem>>) offsets(%dma_start3A_169 : memref<128xi32, #tpu.memory_space<vmem>>) semaphore(%arg20 : memref<!tpu.dma_semaphore, #tpu.memory_space<semaphore_mem>>)
    %dma_wait3A_173 = arith.constant 2 : i32
    %dma_wait3A_174 = arith.constant 256 : i32
    %dma_wait3A_175 = arith.constant 0 : i32
    %dma_wait3A_176 = tpu.memref_slice %arg14[%dma_wait3A_174, %dma_wait3A_175] : memref<512x64xf32, #tpu.memory_space<vmem>> -> memref<128x64xf32, #tpu.memory_space<vmem>>
    %dma_wait3A_177 = arith.constant 0 : i32
    %dma_wait3A_178 = tpu.memref_slice %arg12[%dma_wait3A_173, %dma_wait3A_177] : memref<4x128xi32, #tpu.memory_space<vmem>> -> memref<1x128xi32, #tpu.memory_space<vmem>>
    %dma_wait3A_179 = tpu.memref_squeeze %dma_wait3A_178 : memref<1x128xi32, #tpu.memory_space<vmem>> -> memref<128xi32, #tpu.memory_space<vmem>>
    %dma_wait3A_180 = arith.constant 0 : i32
    %dma_wait3A_181 = arith.constant 0 : i32
    %dma_wait3A_182 = tpu.memref_slice %arg7[%dma_wait3A_180, %dma_wait3A_181] : memref<1000000x64xf32, #tpu.memory_space<hbm>> -> memref<1000000x64xf32, #tpu.memory_space<hbm>>
    tpu.wait_indirect_dma semaphore(%arg20 : memref<!tpu.dma_semaphore, #tpu.memory_space<semaphore_mem>>) src(%dma_wait3A_182 : memref<1000000x64xf32, #tpu.memory_space<hbm>>) dst(%dma_wait3A_176 : memref<128x64xf32, #tpu.memory_space<vmem>>)
    %dma_start3A_183 = arith.constant 2 : i32
    %dma_start3A_184 = arith.constant 256 : i32
    %dma_start3A_185 = tpu.memref_slice %arg15[%dma_start3A_184] : memref<512xf32, #tpu.memory_space<vmem>> -> memref<128xf32, #tpu.memory_space<vmem>>
    %dma_start3A_186 = arith.constant 0 : i32
    %dma_start3A_187 = tpu.memref_slice %arg11[%dma_start3A_183, %dma_start3A_186] : memref<4x128xi32, #tpu.memory_space<vmem>> -> memref<1x128xi32, #tpu.memory_space<vmem>>
    %dma_start3A_188 = tpu.memref_squeeze %dma_start3A_187 : memref<1x128xi32, #tpu.memory_space<vmem>> -> memref<128xi32, #tpu.memory_space<vmem>>
    %dma_start3A_189 = arith.constant 0 : i32
    %dma_start3A_190 = tpu.memref_slice %arg8[%dma_start3A_189] : memref<1000000xf32, #tpu.memory_space<hbm>> -> memref<1000000xf32, #tpu.memory_space<hbm>>
    tpu.enqueue_indirect_dma source(%dma_start3A_190 : memref<1000000xf32, #tpu.memory_space<hbm>>) target(%dma_start3A_185 : memref<128xf32, #tpu.memory_space<vmem>>) offsets(%dma_start3A_188 : memref<128xi32, #tpu.memory_space<vmem>>) semaphore(%arg20 : memref<!tpu.dma_semaphore, #tpu.memory_space<semaphore_mem>>)
    %dma_wait3A_191 = arith.constant 2 : i32
    %dma_wait3A_192 = arith.constant 256 : i32
    %dma_wait3A_193 = tpu.memref_slice %arg15[%dma_wait3A_192] : memref<512xf32, #tpu.memory_space<vmem>> -> memref<128xf32, #tpu.memory_space<vmem>>
    %dma_wait3A_194 = arith.constant 0 : i32
    %dma_wait3A_195 = tpu.memref_slice %arg11[%dma_wait3A_191, %dma_wait3A_194] : memref<4x128xi32, #tpu.memory_space<vmem>> -> memref<1x128xi32, #tpu.memory_space<vmem>>
    %dma_wait3A_196 = tpu.memref_squeeze %dma_wait3A_195 : memref<1x128xi32, #tpu.memory_space<vmem>> -> memref<128xi32, #tpu.memory_space<vmem>>
    %dma_wait3A_197 = arith.constant 0 : i32
    %dma_wait3A_198 = tpu.memref_slice %arg8[%dma_wait3A_197] : memref<1000000xf32, #tpu.memory_space<hbm>> -> memref<1000000xf32, #tpu.memory_space<hbm>>
    tpu.wait_indirect_dma semaphore(%arg20 : memref<!tpu.dma_semaphore, #tpu.memory_space<semaphore_mem>>) src(%dma_wait3A_198 : memref<1000000xf32, #tpu.memory_space<hbm>>) dst(%dma_wait3A_193 : memref<128xf32, #tpu.memory_space<vmem>>)
    %dma_start3A_199 = arith.constant 2 : i32
    %dma_start3A_200 = arith.constant 256 : i32
    %dma_start3A_201 = tpu.memref_slice %arg16[%dma_start3A_200] : memref<512xf32, #tpu.memory_space<vmem>> -> memref<128xf32, #tpu.memory_space<vmem>>
    %dma_start3A_202 = arith.constant 0 : i32
    %dma_start3A_203 = tpu.memref_slice %arg12[%dma_start3A_199, %dma_start3A_202] : memref<4x128xi32, #tpu.memory_space<vmem>> -> memref<1x128xi32, #tpu.memory_space<vmem>>
    %dma_start3A_204 = tpu.memref_squeeze %dma_start3A_203 : memref<1x128xi32, #tpu.memory_space<vmem>> -> memref<128xi32, #tpu.memory_space<vmem>>
    %dma_start3A_205 = arith.constant 0 : i32
    %dma_start3A_206 = tpu.memref_slice %arg9[%dma_start3A_205] : memref<1000000xf32, #tpu.memory_space<hbm>> -> memref<1000000xf32, #tpu.memory_space<hbm>>
    tpu.enqueue_indirect_dma source(%dma_start3A_206 : memref<1000000xf32, #tpu.memory_space<hbm>>) target(%dma_start3A_201 : memref<128xf32, #tpu.memory_space<vmem>>) offsets(%dma_start3A_204 : memref<128xi32, #tpu.memory_space<vmem>>) semaphore(%arg20 : memref<!tpu.dma_semaphore, #tpu.memory_space<semaphore_mem>>)
    %dma_wait3A_207 = arith.constant 2 : i32
    %dma_wait3A_208 = arith.constant 256 : i32
    %dma_wait3A_209 = tpu.memref_slice %arg16[%dma_wait3A_208] : memref<512xf32, #tpu.memory_space<vmem>> -> memref<128xf32, #tpu.memory_space<vmem>>
    %dma_wait3A_210 = arith.constant 0 : i32
    %dma_wait3A_211 = tpu.memref_slice %arg12[%dma_wait3A_207, %dma_wait3A_210] : memref<4x128xi32, #tpu.memory_space<vmem>> -> memref<1x128xi32, #tpu.memory_space<vmem>>
    %dma_wait3A_212 = tpu.memref_squeeze %dma_wait3A_211 : memref<1x128xi32, #tpu.memory_space<vmem>> -> memref<128xi32, #tpu.memory_space<vmem>>
    %dma_wait3A_213 = arith.constant 0 : i32
    %dma_wait3A_214 = tpu.memref_slice %arg9[%dma_wait3A_213] : memref<1000000xf32, #tpu.memory_space<hbm>> -> memref<1000000xf32, #tpu.memory_space<hbm>>
    tpu.wait_indirect_dma semaphore(%arg20 : memref<!tpu.dma_semaphore, #tpu.memory_space<semaphore_mem>>) src(%dma_wait3A_214 : memref<1000000xf32, #tpu.memory_space<hbm>>) dst(%dma_wait3A_209 : memref<128xf32, #tpu.memory_space<vmem>>)
    %dma_start3A_215 = arith.constant 3 : i32
    %dma_start3A_216 = arith.constant 384 : i32
    %dma_start3A_217 = arith.constant 0 : i32
    %dma_start3A_218 = tpu.memref_slice %arg13[%dma_start3A_216, %dma_start3A_217] : memref<512x64xf32, #tpu.memory_space<vmem>> -> memref<128x64xf32, #tpu.memory_space<vmem>>
    %dma_start3A_219 = arith.constant 0 : i32
    %dma_start3A_220 = tpu.memref_slice %arg11[%dma_start3A_215, %dma_start3A_219] : memref<4x128xi32, #tpu.memory_space<vmem>> -> memref<1x128xi32, #tpu.memory_space<vmem>>
    %dma_start3A_221 = tpu.memref_squeeze %dma_start3A_220 : memref<1x128xi32, #tpu.memory_space<vmem>> -> memref<128xi32, #tpu.memory_space<vmem>>
    %dma_start3A_222 = arith.constant 0 : i32
    %dma_start3A_223 = arith.constant 0 : i32
    %dma_start3A_224 = tpu.memref_slice %arg6[%dma_start3A_222, %dma_start3A_223] : memref<1000000x64xf32, #tpu.memory_space<hbm>> -> memref<1000000x64xf32, #tpu.memory_space<hbm>>
    tpu.enqueue_indirect_dma source(%dma_start3A_224 : memref<1000000x64xf32, #tpu.memory_space<hbm>>) target(%dma_start3A_218 : memref<128x64xf32, #tpu.memory_space<vmem>>) offsets(%dma_start3A_221 : memref<128xi32, #tpu.memory_space<vmem>>) semaphore(%arg20 : memref<!tpu.dma_semaphore, #tpu.memory_space<semaphore_mem>>)
    %dma_wait3A_225 = arith.constant 3 : i32
    %dma_wait3A_226 = arith.constant 384 : i32
    %dma_wait3A_227 = arith.constant 0 : i32
    %dma_wait3A_228 = tpu.memref_slice %arg13[%dma_wait3A_226, %dma_wait3A_227] : memref<512x64xf32, #tpu.memory_space<vmem>> -> memref<128x64xf32, #tpu.memory_space<vmem>>
    %dma_wait3A_229 = arith.constant 0 : i32
    %dma_wait3A_230 = tpu.memref_slice %arg11[%dma_wait3A_225, %dma_wait3A_229] : memref<4x128xi32, #tpu.memory_space<vmem>> -> memref<1x128xi32, #tpu.memory_space<vmem>>
    %dma_wait3A_231 = tpu.memref_squeeze %dma_wait3A_230 : memref<1x128xi32, #tpu.memory_space<vmem>> -> memref<128xi32, #tpu.memory_space<vmem>>
    %dma_wait3A_232 = arith.constant 0 : i32
    %dma_wait3A_233 = arith.constant 0 : i32
    %dma_wait3A_234 = tpu.memref_slice %arg6[%dma_wait3A_232, %dma_wait3A_233] : memref<1000000x64xf32, #tpu.memory_space<hbm>> -> memref<1000000x64xf32, #tpu.memory_space<hbm>>
    tpu.wait_indirect_dma semaphore(%arg20 : memref<!tpu.dma_semaphore, #tpu.memory_space<semaphore_mem>>) src(%dma_wait3A_234 : memref<1000000x64xf32, #tpu.memory_space<hbm>>) dst(%dma_wait3A_228 : memref<128x64xf32, #tpu.memory_space<vmem>>)
    %dma_start3A_235 = arith.constant 3 : i32
    %dma_start3A_236 = arith.constant 384 : i32
    %dma_start3A_237 = arith.constant 0 : i32
    %dma_start3A_238 = tpu.memref_slice %arg14[%dma_start3A_236, %dma_start3A_237] : memref<512x64xf32, #tpu.memory_space<vmem>> -> memref<128x64xf32, #tpu.memory_space<vmem>>
    %dma_start3A_239 = arith.constant 0 : i32
    %dma_start3A_240 = tpu.memref_slice %arg12[%dma_start3A_235, %dma_start3A_239] : memref<4x128xi32, #tpu.memory_space<vmem>> -> memref<1x128xi32, #tpu.memory_space<vmem>>
    %dma_start3A_241 = tpu.memref_squeeze %dma_start3A_240 : memref<1x128xi32, #tpu.memory_space<vmem>> -> memref<128xi32, #tpu.memory_space<vmem>>
    %dma_start3A_242 = arith.constant 0 : i32
    %dma_start3A_243 = arith.constant 0 : i32
    %dma_start3A_244 = tpu.memref_slice %arg7[%dma_start3A_242, %dma_start3A_243] : memref<1000000x64xf32, #tpu.memory_space<hbm>> -> memref<1000000x64xf32, #tpu.memory_space<hbm>>
    tpu.enqueue_indirect_dma source(%dma_start3A_244 : memref<1000000x64xf32, #tpu.memory_space<hbm>>) target(%dma_start3A_238 : memref<128x64xf32, #tpu.memory_space<vmem>>) offsets(%dma_start3A_241 : memref<128xi32, #tpu.memory_space<vmem>>) semaphore(%arg20 : memref<!tpu.dma_semaphore, #tpu.memory_space<semaphore_mem>>)
    %dma_wait3A_245 = arith.constant 3 : i32
    %dma_wait3A_246 = arith.constant 384 : i32
    %dma_wait3A_247 = arith.constant 0 : i32
    %dma_wait3A_248 = tpu.memref_slice %arg14[%dma_wait3A_246, %dma_wait3A_247] : memref<512x64xf32, #tpu.memory_space<vmem>> -> memref<128x64xf32, #tpu.memory_space<vmem>>
    %dma_wait3A_249 = arith.constant 0 : i32
    %dma_wait3A_250 = tpu.memref_slice %arg12[%dma_wait3A_245, %dma_wait3A_249] : memref<4x128xi32, #tpu.memory_space<vmem>> -> memref<1x128xi32, #tpu.memory_space<vmem>>
    %dma_wait3A_251 = tpu.memref_squeeze %dma_wait3A_250 : memref<1x128xi32, #tpu.memory_space<vmem>> -> memref<128xi32, #tpu.memory_space<vmem>>
    %dma_wait3A_252 = arith.constant 0 : i32
    %dma_wait3A_253 = arith.constant 0 : i32
    %dma_wait3A_254 = tpu.memref_slice %arg7[%dma_wait3A_252, %dma_wait3A_253] : memref<1000000x64xf32, #tpu.memory_space<hbm>> -> memref<1000000x64xf32, #tpu.memory_space<hbm>>
    tpu.wait_indirect_dma semaphore(%arg20 : memref<!tpu.dma_semaphore, #tpu.memory_space<semaphore_mem>>) src(%dma_wait3A_254 : memref<1000000x64xf32, #tpu.memory_space<hbm>>) dst(%dma_wait3A_248 : memref<128x64xf32, #tpu.memory_space<vmem>>)
    %dma_start3A_255 = arith.constant 3 : i32
    %dma_start3A_256 = arith.constant 384 : i32
    %dma_start3A_257 = tpu.memref_slice %arg15[%dma_start3A_256] : memref<512xf32, #tpu.memory_space<vmem>> -> memref<128xf32, #tpu.memory_space<vmem>>
    %dma_start3A_258 = arith.constant 0 : i32
    %dma_start3A_259 = tpu.memref_slice %arg11[%dma_start3A_255, %dma_start3A_258] : memref<4x128xi32, #tpu.memory_space<vmem>> -> memref<1x128xi32, #tpu.memory_space<vmem>>
    %dma_start3A_260 = tpu.memref_squeeze %dma_start3A_259 : memref<1x128xi32, #tpu.memory_space<vmem>> -> memref<128xi32, #tpu.memory_space<vmem>>
    %dma_start3A_261 = arith.constant 0 : i32
    %dma_start3A_262 = tpu.memref_slice %arg8[%dma_start3A_261] : memref<1000000xf32, #tpu.memory_space<hbm>> -> memref<1000000xf32, #tpu.memory_space<hbm>>
    tpu.enqueue_indirect_dma source(%dma_start3A_262 : memref<1000000xf32, #tpu.memory_space<hbm>>) target(%dma_start3A_257 : memref<128xf32, #tpu.memory_space<vmem>>) offsets(%dma_start3A_260 : memref<128xi32, #tpu.memory_space<vmem>>) semaphore(%arg20 : memref<!tpu.dma_semaphore, #tpu.memory_space<semaphore_mem>>)
    %dma_wait3A_263 = arith.constant 3 : i32
    %dma_wait3A_264 = arith.constant 384 : i32
    %dma_wait3A_265 = tpu.memref_slice %arg15[%dma_wait3A_264] : memref<512xf32, #tpu.memory_space<vmem>> -> memref<128xf32, #tpu.memory_space<vmem>>
    %dma_wait3A_266 = arith.constant 0 : i32
    %dma_wait3A_267 = tpu.memref_slice %arg11[%dma_wait3A_263, %dma_wait3A_266] : memref<4x128xi32, #tpu.memory_space<vmem>> -> memref<1x128xi32, #tpu.memory_space<vmem>>
    %dma_wait3A_268 = tpu.memref_squeeze %dma_wait3A_267 : memref<1x128xi32, #tpu.memory_space<vmem>> -> memref<128xi32, #tpu.memory_space<vmem>>
    %dma_wait3A_269 = arith.constant 0 : i32
    %dma_wait3A_270 = tpu.memref_slice %arg8[%dma_wait3A_269] : memref<1000000xf32, #tpu.memory_space<hbm>> -> memref<1000000xf32, #tpu.memory_space<hbm>>
    tpu.wait_indirect_dma semaphore(%arg20 : memref<!tpu.dma_semaphore, #tpu.memory_space<semaphore_mem>>) src(%dma_wait3A_270 : memref<1000000xf32, #tpu.memory_space<hbm>>) dst(%dma_wait3A_265 : memref<128xf32, #tpu.memory_space<vmem>>)
    %dma_start3A_271 = arith.constant 3 : i32
    %dma_start3A_272 = arith.constant 384 : i32
    %dma_start3A_273 = tpu.memref_slice %arg16[%dma_start3A_272] : memref<512xf32, #tpu.memory_space<vmem>> -> memref<128xf32, #tpu.memory_space<vmem>>
    %dma_start3A_274 = arith.constant 0 : i32
    %dma_start3A_275 = tpu.memref_slice %arg12[%dma_start3A_271, %dma_start3A_274] : memref<4x128xi32, #tpu.memory_space<vmem>> -> memref<1x128xi32, #tpu.memory_space<vmem>>
    %dma_start3A_276 = tpu.memref_squeeze %dma_start3A_275 : memref<1x128xi32, #tpu.memory_space<vmem>> -> memref<128xi32, #tpu.memory_space<vmem>>
    %dma_start3A_277 = arith.constant 0 : i32
    %dma_start3A_278 = tpu.memref_slice %arg9[%dma_start3A_277] : memref<1000000xf32, #tpu.memory_space<hbm>> -> memref<1000000xf32, #tpu.memory_space<hbm>>
    tpu.enqueue_indirect_dma source(%dma_start3A_278 : memref<1000000xf32, #tpu.memory_space<hbm>>) target(%dma_start3A_273 : memref<128xf32, #tpu.memory_space<vmem>>) offsets(%dma_start3A_276 : memref<128xi32, #tpu.memory_space<vmem>>) semaphore(%arg20 : memref<!tpu.dma_semaphore, #tpu.memory_space<semaphore_mem>>)
    %dma_wait3A_279 = arith.constant 3 : i32
    %dma_wait3A_280 = arith.constant 384 : i32
    %dma_wait3A_281 = tpu.memref_slice %arg16[%dma_wait3A_280] : memref<512xf32, #tpu.memory_space<vmem>> -> memref<128xf32, #tpu.memory_space<vmem>>
    %dma_wait3A_282 = arith.constant 0 : i32
    %dma_wait3A_283 = tpu.memref_slice %arg12[%dma_wait3A_279, %dma_wait3A_282] : memref<4x128xi32, #tpu.memory_space<vmem>> -> memref<1x128xi32, #tpu.memory_space<vmem>>
    %dma_wait3A_284 = tpu.memref_squeeze %dma_wait3A_283 : memref<1x128xi32, #tpu.memory_space<vmem>> -> memref<128xi32, #tpu.memory_space<vmem>>
    %dma_wait3A_285 = arith.constant 0 : i32
    %dma_wait3A_286 = tpu.memref_slice %arg9[%dma_wait3A_285] : memref<1000000xf32, #tpu.memory_space<hbm>> -> memref<1000000xf32, #tpu.memory_space<hbm>>
    tpu.wait_indirect_dma semaphore(%arg20 : memref<!tpu.dma_semaphore, #tpu.memory_space<semaphore_mem>>) src(%dma_wait3A_286 : memref<1000000xf32, #tpu.memory_space<hbm>>) dst(%dma_wait3A_281 : memref<128xf32, #tpu.memory_space<vmem>>)
    %broadcast_in_dim3A = arith.constant 0.000000e+00 : f32
    %broadcast_in_dim3A_287 = vector.broadcast %broadcast_in_dim3A : f32 to vector<16xf32>
    %scan3A = arith.constant 0 : i32
    %scan3A_288 = arith.constant 32 : i32
    %scan3A_289 = arith.addi %scan3A, %scan3A_288 : i32
    %scan3A_290 = arith.constant 1 : i32
    %scan3A_291 = scf.for %scan3A_294 = %scan3A to %scan3A_289 step %scan3A_290 iter_args(%scan3A_295 = %broadcast_in_dim3A_287) -> (vector<16xf32>)  : i32 {
      %mul3A_296 = arith.constant 16 : i32
      %mul3A_297 = arith.muli %scan3A_294, %mul3A_296 : i32
      %iota3A = tpu.iota {dimensions = array<i32: 0>} : vector<16xi32>
      %add3A_298 = vector.broadcast %mul3A_297 : i32 to vector<16xi32>
      %add3A_299 = arith.addi %add3A_298, %iota3A : vector<16xi32>
      %broadcast_in_dim3A_300 = arith.constant 0.000000e+00 : f32
      %broadcast_in_dim3A_301 = vector.broadcast %broadcast_in_dim3A_300 : f32 to vector<16xf32>
      %broadcast_in_dim3A_302 = arith.constant 0 : i32
      %broadcast_in_dim3A_303 = vector.broadcast %broadcast_in_dim3A_302 : i32 to vector<16xi32>
      %gather3A = tpu.vector_load_idx %arg13[%add3A_299, %broadcast_in_dim3A_303] : memref<512x64xf32, #tpu.memory_space<vmem>>[vector<16xi32>, vector<16xi32>], vector<16xf32>,
      %gather3A_304 = tpu.vector_load_idx %arg14[%add3A_299, %broadcast_in_dim3A_303] : memref<512x64xf32, #tpu.memory_space<vmem>>[vector<16xi32>, vector<16xi32>], vector<16xf32>,
      %mul3A_305 = arith.mulf %gather3A, %gather3A_304 : vector<16xf32>
      %add3A_306 = arith.addf %broadcast_in_dim3A_301, %mul3A_305 : vector<16xf32>
      %broadcast_in_dim3A_307 = arith.constant 1 : i32
      %broadcast_in_dim3A_308 = vector.broadcast %broadcast_in_dim3A_307 : i32 to vector<16xi32>
      %gather3A_309 = tpu.vector_load_idx %arg13[%add3A_299, %broadcast_in_dim3A_308] : memref<512x64xf32, #tpu.memory_space<vmem>>[vector<16xi32>, vector<16xi32>], vector<16xf32>,
      %gather3A_310 = tpu.vector_load_idx %arg14[%add3A_299, %broadcast_in_dim3A_308] : memref<512x64xf32, #tpu.memory_space<vmem>>[vector<16xi32>, vector<16xi32>], vector<16xf32>,
      %mul3A_311 = arith.mulf %gather3A_309, %gather3A_310 : vector<16xf32>
      %add3A_312 = arith.addf %add3A_306, %mul3A_311 : vector<16xf32>
      %broadcast_in_dim3A_313 = arith.constant 2 : i32
      %broadcast_in_dim3A_314 = vector.broadcast %broadcast_in_dim3A_313 : i32 to vector<16xi32>
      %gather3A_315 = tpu.vector_load_idx %arg13[%add3A_299, %broadcast_in_dim3A_314] : memref<512x64xf32, #tpu.memory_space<vmem>>[vector<16xi32>, vector<16xi32>], vector<16xf32>,
      %gather3A_316 = tpu.vector_load_idx %arg14[%add3A_299, %broadcast_in_dim3A_314] : memref<512x64xf32, #tpu.memory_space<vmem>>[vector<16xi32>, vector<16xi32>], vector<16xf32>,
      %mul3A_317 = arith.mulf %gather3A_315, %gather3A_316 : vector<16xf32>
      %add3A_318 = arith.addf %add3A_312, %mul3A_317 : vector<16xf32>
      %broadcast_in_dim3A_319 = arith.constant 3 : i32
      %broadcast_in_dim3A_320 = vector.broadcast %broadcast_in_dim3A_319 : i32 to vector<16xi32>
      %gather3A_321 = tpu.vector_load_idx %arg13[%add3A_299, %broadcast_in_dim3A_320] : memref<512x64xf32, #tpu.memory_space<vmem>>[vector<16xi32>, vector<16xi32>], vector<16xf32>,
      %gather3A_322 = tpu.vector_load_idx %arg14[%add3A_299, %broadcast_in_dim3A_320] : memref<512x64xf32, #tpu.memory_space<vmem>>[vector<16xi32>, vector<16xi32>], vector<16xf32>,
      %mul3A_323 = arith.mulf %gather3A_321, %gather3A_322 : vector<16xf32>
      %add3A_324 = arith.addf %add3A_318, %mul3A_323 : vector<16xf32>
      %broadcast_in_dim3A_325 = arith.constant 4 : i32
      %broadcast_in_dim3A_326 = vector.broadcast %broadcast_in_dim3A_325 : i32 to vector<16xi32>
      %gather3A_327 = tpu.vector_load_idx %arg13[%add3A_299, %broadcast_in_dim3A_326] : memref<512x64xf32, #tpu.memory_space<vmem>>[vector<16xi32>, vector<16xi32>], vector<16xf32>,
      %gather3A_328 = tpu.vector_load_idx %arg14[%add3A_299, %broadcast_in_dim3A_326] : memref<512x64xf32, #tpu.memory_space<vmem>>[vector<16xi32>, vector<16xi32>], vector<16xf32>,
      %mul3A_329 = arith.mulf %gather3A_327, %gather3A_328 : vector<16xf32>
      %add3A_330 = arith.addf %add3A_324, %mul3A_329 : vector<16xf32>
      %broadcast_in_dim3A_331 = arith.constant 5 : i32
      %broadcast_in_dim3A_332 = vector.broadcast %broadcast_in_dim3A_331 : i32 to vector<16xi32>
      %gather3A_333 = tpu.vector_load_idx %arg13[%add3A_299, %broadcast_in_dim3A_332] : memref<512x64xf32, #tpu.memory_space<vmem>>[vector<16xi32>, vector<16xi32>], vector<16xf32>,
      %gather3A_334 = tpu.vector_load_idx %arg14[%add3A_299, %broadcast_in_dim3A_332] : memref<512x64xf32, #tpu.memory_space<vmem>>[vector<16xi32>, vector<16xi32>], vector<16xf32>,
      %mul3A_335 = arith.mulf %gather3A_333, %gather3A_334 : vector<16xf32>
      %add3A_336 = arith.addf %add3A_330, %mul3A_335 : vector<16xf32>
      %broadcast_in_dim3A_337 = arith.constant 6 : i32
      %broadcast_in_dim3A_338 = vector.broadcast %broadcast_in_dim3A_337 : i32 to vector<16xi32>
      %gather3A_339 = tpu.vector_load_idx %arg13[%add3A_299, %broadcast_in_dim3A_338] : memref<512x64xf32, #tpu.memory_space<vmem>>[vector<16xi32>, vector<16xi32>], vector<16xf32>,
      %gather3A_340 = tpu.vector_load_idx %arg14[%add3A_299, %broadcast_in_dim3A_338] : memref<512x64xf32, #tpu.memory_space<vmem>>[vector<16xi32>, vector<16xi32>], vector<16xf32>,
      %mul3A_341 = arith.mulf %gather3A_339, %gather3A_340 : vector<16xf32>
      %add3A_342 = arith.addf %add3A_336, %mul3A_341 : vector<16xf32>
      %broadcast_in_dim3A_343 = arith.constant 7 : i32
      %broadcast_in_dim3A_344 = vector.broadcast %broadcast_in_dim3A_343 : i32 to vector<16xi32>
      %gather3A_345 = tpu.vector_load_idx %arg13[%add3A_299, %broadcast_in_dim3A_344] : memref<512x64xf32, #tpu.memory_space<vmem>>[vector<16xi32>, vector<16xi32>], vector<16xf32>,
      %gather3A_346 = tpu.vector_load_idx %arg14[%add3A_299, %broadcast_in_dim3A_344] : memref<512x64xf32, #tpu.memory_space<vmem>>[vector<16xi32>, vector<16xi32>], vector<16xf32>,
      %mul3A_347 = arith.mulf %gather3A_345, %gather3A_346 : vector<16xf32>
      %add3A_348 = arith.addf %add3A_342, %mul3A_347 : vector<16xf32>
      %broadcast_in_dim3A_349 = arith.constant 8 : i32
      %broadcast_in_dim3A_350 = vector.broadcast %broadcast_in_dim3A_349 : i32 to vector<16xi32>
      %gather3A_351 = tpu.vector_load_idx %arg13[%add3A_299, %broadcast_in_dim3A_350] : memref<512x64xf32, #tpu.memory_space<vmem>>[vector<16xi32>, vector<16xi32>], vector<16xf32>,
      %gather3A_352 = tpu.vector_load_idx %arg14[%add3A_299, %broadcast_in_dim3A_350] : memref<512x64xf32, #tpu.memory_space<vmem>>[vector<16xi32>, vector<16xi32>], vector<16xf32>,
      %mul3A_353 = arith.mulf %gather3A_351, %gather3A_352 : vector<16xf32>
      %add3A_354 = arith.addf %add3A_348, %mul3A_353 : vector<16xf32>
      %broadcast_in_dim3A_355 = arith.constant 9 : i32
      %broadcast_in_dim3A_356 = vector.broadcast %broadcast_in_dim3A_355 : i32 to vector<16xi32>
      %gather3A_357 = tpu.vector_load_idx %arg13[%add3A_299, %broadcast_in_dim3A_356] : memref<512x64xf32, #tpu.memory_space<vmem>>[vector<16xi32>, vector<16xi32>], vector<16xf32>,
      %gather3A_358 = tpu.vector_load_idx %arg14[%add3A_299, %broadcast_in_dim3A_356] : memref<512x64xf32, #tpu.memory_space<vmem>>[vector<16xi32>, vector<16xi32>], vector<16xf32>,
      %mul3A_359 = arith.mulf %gather3A_357, %gather3A_358 : vector<16xf32>
      %add3A_360 = arith.addf %add3A_354, %mul3A_359 : vector<16xf32>
      %broadcast_in_dim3A_361 = arith.constant 10 : i32
      %broadcast_in_dim3A_362 = vector.broadcast %broadcast_in_dim3A_361 : i32 to vector<16xi32>
      %gather3A_363 = tpu.vector_load_idx %arg13[%add3A_299, %broadcast_in_dim3A_362] : memref<512x64xf32, #tpu.memory_space<vmem>>[vector<16xi32>, vector<16xi32>], vector<16xf32>,
      %gather3A_364 = tpu.vector_load_idx %arg14[%add3A_299, %broadcast_in_dim3A_362] : memref<512x64xf32, #tpu.memory_space<vmem>>[vector<16xi32>, vector<16xi32>], vector<16xf32>,
      %mul3A_365 = arith.mulf %gather3A_363, %gather3A_364 : vector<16xf32>
      %add3A_366 = arith.addf %add3A_360, %mul3A_365 : vector<16xf32>
      %broadcast_in_dim3A_367 = arith.constant 11 : i32
      %broadcast_in_dim3A_368 = vector.broadcast %broadcast_in_dim3A_367 : i32 to vector<16xi32>
      %gather3A_369 = tpu.vector_load_idx %arg13[%add3A_299, %broadcast_in_dim3A_368] : memref<512x64xf32, #tpu.memory_space<vmem>>[vector<16xi32>, vector<16xi32>], vector<16xf32>,
      %gather3A_370 = tpu.vector_load_idx %arg14[%add3A_299, %broadcast_in_dim3A_368] : memref<512x64xf32, #tpu.memory_space<vmem>>[vector<16xi32>, vector<16xi32>], vector<16xf32>,
      %mul3A_371 = arith.mulf %gather3A_369, %gather3A_370 : vector<16xf32>
      %add3A_372 = arith.addf %add3A_366, %mul3A_371 : vector<16xf32>
      %broadcast_in_dim3A_373 = arith.constant 12 : i32
      %broadcast_in_dim3A_374 = vector.broadcast %broadcast_in_dim3A_373 : i32 to vector<16xi32>
      %gather3A_375 = tpu.vector_load_idx %arg13[%add3A_299, %broadcast_in_dim3A_374] : memref<512x64xf32, #tpu.memory_space<vmem>>[vector<16xi32>, vector<16xi32>], vector<16xf32>,
      %gather3A_376 = tpu.vector_load_idx %arg14[%add3A_299, %broadcast_in_dim3A_374] : memref<512x64xf32, #tpu.memory_space<vmem>>[vector<16xi32>, vector<16xi32>], vector<16xf32>,
      %mul3A_377 = arith.mulf %gather3A_375, %gather3A_376 : vector<16xf32>
      %add3A_378 = arith.addf %add3A_372, %mul3A_377 : vector<16xf32>
      %broadcast_in_dim3A_379 = arith.constant 13 : i32
      %broadcast_in_dim3A_380 = vector.broadcast %broadcast_in_dim3A_379 : i32 to vector<16xi32>
      %gather3A_381 = tpu.vector_load_idx %arg13[%add3A_299, %broadcast_in_dim3A_380] : memref<512x64xf32, #tpu.memory_space<vmem>>[vector<16xi32>, vector<16xi32>], vector<16xf32>,
      %gather3A_382 = tpu.vector_load_idx %arg14[%add3A_299, %broadcast_in_dim3A_380] : memref<512x64xf32, #tpu.memory_space<vmem>>[vector<16xi32>, vector<16xi32>], vector<16xf32>,
      %mul3A_383 = arith.mulf %gather3A_381, %gather3A_382 : vector<16xf32>
      %add3A_384 = arith.addf %add3A_378, %mul3A_383 : vector<16xf32>
      %broadcast_in_dim3A_385 = arith.constant 14 : i32
      %broadcast_in_dim3A_386 = vector.broadcast %broadcast_in_dim3A_385 : i32 to vector<16xi32>
      %gather3A_387 = tpu.vector_load_idx %arg13[%add3A_299, %broadcast_in_dim3A_386] : memref<512x64xf32, #tpu.memory_space<vmem>>[vector<16xi32>, vector<16xi32>], vector<16xf32>,
      %gather3A_388 = tpu.vector_load_idx %arg14[%add3A_299, %broadcast_in_dim3A_386] : memref<512x64xf32, #tpu.memory_space<vmem>>[vector<16xi32>, vector<16xi32>], vector<16xf32>,
      %mul3A_389 = arith.mulf %gather3A_387, %gather3A_388 : vector<16xf32>
      %add3A_390 = arith.addf %add3A_384, %mul3A_389 : vector<16xf32>
      %broadcast_in_dim3A_391 = arith.constant 15 : i32
      %broadcast_in_dim3A_392 = vector.broadcast %broadcast_in_dim3A_391 : i32 to vector<16xi32>
      %gather3A_393 = tpu.vector_load_idx %arg13[%add3A_299, %broadcast_in_dim3A_392] : memref<512x64xf32, #tpu.memory_space<vmem>>[vector<16xi32>, vector<16xi32>], vector<16xf32>,
      %gather3A_394 = tpu.vector_load_idx %arg14[%add3A_299, %broadcast_in_dim3A_392] : memref<512x64xf32, #tpu.memory_space<vmem>>[vector<16xi32>, vector<16xi32>], vector<16xf32>,
      %mul3A_395 = arith.mulf %gather3A_393, %gather3A_394 : vector<16xf32>
      %add3A_396 = arith.addf %add3A_390, %mul3A_395 : vector<16xf32>
      %broadcast_in_dim3A_397 = arith.constant 16 : i32
      %broadcast_in_dim3A_398 = vector.broadcast %broadcast_in_dim3A_397 : i32 to vector<16xi32>
      %gather3A_399 = tpu.vector_load_idx %arg13[%add3A_299, %broadcast_in_dim3A_398] : memref<512x64xf32, #tpu.memory_space<vmem>>[vector<16xi32>, vector<16xi32>], vector<16xf32>,
      %gather3A_400 = tpu.vector_load_idx %arg14[%add3A_299, %broadcast_in_dim3A_398] : memref<512x64xf32, #tpu.memory_space<vmem>>[vector<16xi32>, vector<16xi32>], vector<16xf32>,
      %mul3A_401 = arith.mulf %gather3A_399, %gather3A_400 : vector<16xf32>
      %add3A_402 = arith.addf %add3A_396, %mul3A_401 : vector<16xf32>
      %broadcast_in_dim3A_403 = arith.constant 17 : i32
      %broadcast_in_dim3A_404 = vector.broadcast %broadcast_in_dim3A_403 : i32 to vector<16xi32>
      %gather3A_405 = tpu.vector_load_idx %arg13[%add3A_299, %broadcast_in_dim3A_404] : memref<512x64xf32, #tpu.memory_space<vmem>>[vector<16xi32>, vector<16xi32>], vector<16xf32>,
      %gather3A_406 = tpu.vector_load_idx %arg14[%add3A_299, %broadcast_in_dim3A_404] : memref<512x64xf32, #tpu.memory_space<vmem>>[vector<16xi32>, vector<16xi32>], vector<16xf32>,
      %mul3A_407 = arith.mulf %gather3A_405, %gather3A_406 : vector<16xf32>
      %add3A_408 = arith.addf %add3A_402, %mul3A_407 : vector<16xf32>
      %broadcast_in_dim3A_409 = arith.constant 18 : i32
      %broadcast_in_dim3A_410 = vector.broadcast %broadcast_in_dim3A_409 : i32 to vector<16xi32>
      %gather3A_411 = tpu.vector_load_idx %arg13[%add3A_299, %broadcast_in_dim3A_410] : memref<512x64xf32, #tpu.memory_space<vmem>>[vector<16xi32>, vector<16xi32>], vector<16xf32>,
      %gather3A_412 = tpu.vector_load_idx %arg14[%add3A_299, %broadcast_in_dim3A_410] : memref<512x64xf32, #tpu.memory_space<vmem>>[vector<16xi32>, vector<16xi32>], vector<16xf32>,
      %mul3A_413 = arith.mulf %gather3A_411, %gather3A_412 : vector<16xf32>
      %add3A_414 = arith.addf %add3A_408, %mul3A_413 : vector<16xf32>
      %broadcast_in_dim3A_415 = arith.constant 19 : i32
      %broadcast_in_dim3A_416 = vector.broadcast %broadcast_in_dim3A_415 : i32 to vector<16xi32>
      %gather3A_417 = tpu.vector_load_idx %arg13[%add3A_299, %broadcast_in_dim3A_416] : memref<512x64xf32, #tpu.memory_space<vmem>>[vector<16xi32>, vector<16xi32>], vector<16xf32>,
      %gather3A_418 = tpu.vector_load_idx %arg14[%add3A_299, %broadcast_in_dim3A_416] : memref<512x64xf32, #tpu.memory_space<vmem>>[vector<16xi32>, vector<16xi32>], vector<16xf32>,
      %mul3A_419 = arith.mulf %gather3A_417, %gather3A_418 : vector<16xf32>
      %add3A_420 = arith.addf %add3A_414, %mul3A_419 : vector<16xf32>
      %broadcast_in_dim3A_421 = arith.constant 20 : i32
      %broadcast_in_dim3A_422 = vector.broadcast %broadcast_in_dim3A_421 : i32 to vector<16xi32>
      %gather3A_423 = tpu.vector_load_idx %arg13[%add3A_299, %broadcast_in_dim3A_422] : memref<512x64xf32, #tpu.memory_space<vmem>>[vector<16xi32>, vector<16xi32>], vector<16xf32>,
      %gather3A_424 = tpu.vector_load_idx %arg14[%add3A_299, %broadcast_in_dim3A_422] : memref<512x64xf32, #tpu.memory_space<vmem>>[vector<16xi32>, vector<16xi32>], vector<16xf32>,
      %mul3A_425 = arith.mulf %gather3A_423, %gather3A_424 : vector<16xf32>
      %add3A_426 = arith.addf %add3A_420, %mul3A_425 : vector<16xf32>
      %broadcast_in_dim3A_427 = arith.constant 21 : i32
      %broadcast_in_dim3A_428 = vector.broadcast %broadcast_in_dim3A_427 : i32 to vector<16xi32>
      %gather3A_429 = tpu.vector_load_idx %arg13[%add3A_299, %broadcast_in_dim3A_428] : memref<512x64xf32, #tpu.memory_space<vmem>>[vector<16xi32>, vector<16xi32>], vector<16xf32>,
      %gather3A_430 = tpu.vector_load_idx %arg14[%add3A_299, %broadcast_in_dim3A_428] : memref<512x64xf32, #tpu.memory_space<vmem>>[vector<16xi32>, vector<16xi32>], vector<16xf32>,
      %mul3A_431 = arith.mulf %gather3A_429, %gather3A_430 : vector<16xf32>
      %add3A_432 = arith.addf %add3A_426, %mul3A_431 : vector<16xf32>
      %broadcast_in_dim3A_433 = arith.constant 22 : i32
      %broadcast_in_dim3A_434 = vector.broadcast %broadcast_in_dim3A_433 : i32 to vector<16xi32>
      %gather3A_435 = tpu.vector_load_idx %arg13[%add3A_299, %broadcast_in_dim3A_434] : memref<512x64xf32, #tpu.memory_space<vmem>>[vector<16xi32>, vector<16xi32>], vector<16xf32>,
      %gather3A_436 = tpu.vector_load_idx %arg14[%add3A_299, %broadcast_in_dim3A_434] : memref<512x64xf32, #tpu.memory_space<vmem>>[vector<16xi32>, vector<16xi32>], vector<16xf32>,
      %mul3A_437 = arith.mulf %gather3A_435, %gather3A_436 : vector<16xf32>
      %add3A_438 = arith.addf %add3A_432, %mul3A_437 : vector<16xf32>
      %broadcast_in_dim3A_439 = arith.constant 23 : i32
      %broadcast_in_dim3A_440 = vector.broadcast %broadcast_in_dim3A_439 : i32 to vector<16xi32>
      %gather3A_441 = tpu.vector_load_idx %arg13[%add3A_299, %broadcast_in_dim3A_440] : memref<512x64xf32, #tpu.memory_space<vmem>>[vector<16xi32>, vector<16xi32>], vector<16xf32>,
      %gather3A_442 = tpu.vector_load_idx %arg14[%add3A_299, %broadcast_in_dim3A_440] : memref<512x64xf32, #tpu.memory_space<vmem>>[vector<16xi32>, vector<16xi32>], vector<16xf32>,
      %mul3A_443 = arith.mulf %gather3A_441, %gather3A_442 : vector<16xf32>
      %add3A_444 = arith.addf %add3A_438, %mul3A_443 : vector<16xf32>
      %broadcast_in_dim3A_445 = arith.constant 24 : i32
      %broadcast_in_dim3A_446 = vector.broadcast %broadcast_in_dim3A_445 : i32 to vector<16xi32>
      %gather3A_447 = tpu.vector_load_idx %arg13[%add3A_299, %broadcast_in_dim3A_446] : memref<512x64xf32, #tpu.memory_space<vmem>>[vector<16xi32>, vector<16xi32>], vector<16xf32>,
      %gather3A_448 = tpu.vector_load_idx %arg14[%add3A_299, %broadcast_in_dim3A_446] : memref<512x64xf32, #tpu.memory_space<vmem>>[vector<16xi32>, vector<16xi32>], vector<16xf32>,
      %mul3A_449 = arith.mulf %gather3A_447, %gather3A_448 : vector<16xf32>
      %add3A_450 = arith.addf %add3A_444, %mul3A_449 : vector<16xf32>
      %broadcast_in_dim3A_451 = arith.constant 25 : i32
      %broadcast_in_dim3A_452 = vector.broadcast %broadcast_in_dim3A_451 : i32 to vector<16xi32>
      %gather3A_453 = tpu.vector_load_idx %arg13[%add3A_299, %broadcast_in_dim3A_452] : memref<512x64xf32, #tpu.memory_space<vmem>>[vector<16xi32>, vector<16xi32>], vector<16xf32>,
      %gather3A_454 = tpu.vector_load_idx %arg14[%add3A_299, %broadcast_in_dim3A_452] : memref<512x64xf32, #tpu.memory_space<vmem>>[vector<16xi32>, vector<16xi32>], vector<16xf32>,
      %mul3A_455 = arith.mulf %gather3A_453, %gather3A_454 : vector<16xf32>
      %add3A_456 = arith.addf %add3A_450, %mul3A_455 : vector<16xf32>
      %broadcast_in_dim3A_457 = arith.constant 26 : i32
      %broadcast_in_dim3A_458 = vector.broadcast %broadcast_in_dim3A_457 : i32 to vector<16xi32>
      %gather3A_459 = tpu.vector_load_idx %arg13[%add3A_299, %broadcast_in_dim3A_458] : memref<512x64xf32, #tpu.memory_space<vmem>>[vector<16xi32>, vector<16xi32>], vector<16xf32>,
      %gather3A_460 = tpu.vector_load_idx %arg14[%add3A_299, %broadcast_in_dim3A_458] : memref<512x64xf32, #tpu.memory_space<vmem>>[vector<16xi32>, vector<16xi32>], vector<16xf32>,
      %mul3A_461 = arith.mulf %gather3A_459, %gather3A_460 : vector<16xf32>
      %add3A_462 = arith.addf %add3A_456, %mul3A_461 : vector<16xf32>
      %broadcast_in_dim3A_463 = arith.constant 27 : i32
      %broadcast_in_dim3A_464 = vector.broadcast %broadcast_in_dim3A_463 : i32 to vector<16xi32>
      %gather3A_465 = tpu.vector_load_idx %arg13[%add3A_299, %broadcast_in_dim3A_464] : memref<512x64xf32, #tpu.memory_space<vmem>>[vector<16xi32>, vector<16xi32>], vector<16xf32>,
      %gather3A_466 = tpu.vector_load_idx %arg14[%add3A_299, %broadcast_in_dim3A_464] : memref<512x64xf32, #tpu.memory_space<vmem>>[vector<16xi32>, vector<16xi32>], vector<16xf32>,
      %mul3A_467 = arith.mulf %gather3A_465, %gather3A_466 : vector<16xf32>
      %add3A_468 = arith.addf %add3A_462, %mul3A_467 : vector<16xf32>
      %broadcast_in_dim3A_469 = arith.constant 28 : i32
      %broadcast_in_dim3A_470 = vector.broadcast %broadcast_in_dim3A_469 : i32 to vector<16xi32>
      %gather3A_471 = tpu.vector_load_idx %arg13[%add3A_299, %broadcast_in_dim3A_470] : memref<512x64xf32, #tpu.memory_space<vmem>>[vector<16xi32>, vector<16xi32>], vector<16xf32>,
      %gather3A_472 = tpu.vector_load_idx %arg14[%add3A_299, %broadcast_in_dim3A_470] : memref<512x64xf32, #tpu.memory_space<vmem>>[vector<16xi32>, vector<16xi32>], vector<16xf32>,
      %mul3A_473 = arith.mulf %gather3A_471, %gather3A_472 : vector<16xf32>
      %add3A_474 = arith.addf %add3A_468, %mul3A_473 : vector<16xf32>
      %broadcast_in_dim3A_475 = arith.constant 29 : i32
      %broadcast_in_dim3A_476 = vector.broadcast %broadcast_in_dim3A_475 : i32 to vector<16xi32>
      %gather3A_477 = tpu.vector_load_idx %arg13[%add3A_299, %broadcast_in_dim3A_476] : memref<512x64xf32, #tpu.memory_space<vmem>>[vector<16xi32>, vector<16xi32>], vector<16xf32>,
      %gather3A_478 = tpu.vector_load_idx %arg14[%add3A_299, %broadcast_in_dim3A_476] : memref<512x64xf32, #tpu.memory_space<vmem>>[vector<16xi32>, vector<16xi32>], vector<16xf32>,
      %mul3A_479 = arith.mulf %gather3A_477, %gather3A_478 : vector<16xf32>
      %add3A_480 = arith.addf %add3A_474, %mul3A_479 : vector<16xf32>
      %broadcast_in_dim3A_481 = arith.constant 30 : i32
      %broadcast_in_dim3A_482 = vector.broadcast %broadcast_in_dim3A_481 : i32 to vector<16xi32>
      %gather3A_483 = tpu.vector_load_idx %arg13[%add3A_299, %broadcast_in_dim3A_482] : memref<512x64xf32, #tpu.memory_space<vmem>>[vector<16xi32>, vector<16xi32>], vector<16xf32>,
      %gather3A_484 = tpu.vector_load_idx %arg14[%add3A_299, %broadcast_in_dim3A_482] : memref<512x64xf32, #tpu.memory_space<vmem>>[vector<16xi32>, vector<16xi32>], vector<16xf32>,
      %mul3A_485 = arith.mulf %gather3A_483, %gather3A_484 : vector<16xf32>
      %add3A_486 = arith.addf %add3A_480, %mul3A_485 : vector<16xf32>
      %broadcast_in_dim3A_487 = arith.constant 31 : i32
      %broadcast_in_dim3A_488 = vector.broadcast %broadcast_in_dim3A_487 : i32 to vector<16xi32>
      %gather3A_489 = tpu.vector_load_idx %arg13[%add3A_299, %broadcast_in_dim3A_488] : memref<512x64xf32, #tpu.memory_space<vmem>>[vector<16xi32>, vector<16xi32>], vector<16xf32>,
      %gather3A_490 = tpu.vector_load_idx %arg14[%add3A_299, %broadcast_in_dim3A_488] : memref<512x64xf32, #tpu.memory_space<vmem>>[vector<16xi32>, vector<16xi32>], vector<16xf32>,
      %mul3A_491 = arith.mulf %gather3A_489, %gather3A_490 : vector<16xf32>
      %add3A_492 = arith.addf %add3A_486, %mul3A_491 : vector<16xf32>
      %broadcast_in_dim3A_493 = arith.constant 32 : i32
      %broadcast_in_dim3A_494 = vector.broadcast %broadcast_in_dim3A_493 : i32 to vector<16xi32>
      %gather3A_495 = tpu.vector_load_idx %arg13[%add3A_299, %broadcast_in_dim3A_494] : memref<512x64xf32, #tpu.memory_space<vmem>>[vector<16xi32>, vector<16xi32>], vector<16xf32>,
      %gather3A_496 = tpu.vector_load_idx %arg14[%add3A_299, %broadcast_in_dim3A_494] : memref<512x64xf32, #tpu.memory_space<vmem>>[vector<16xi32>, vector<16xi32>], vector<16xf32>,
      %mul3A_497 = arith.mulf %gather3A_495, %gather3A_496 : vector<16xf32>
      %add3A_498 = arith.addf %add3A_492, %mul3A_497 : vector<16xf32>
      %broadcast_in_dim3A_499 = arith.constant 33 : i32
      %broadcast_in_dim3A_500 = vector.broadcast %broadcast_in_dim3A_499 : i32 to vector<16xi32>
      %gather3A_501 = tpu.vector_load_idx %arg13[%add3A_299, %broadcast_in_dim3A_500] : memref<512x64xf32, #tpu.memory_space<vmem>>[vector<16xi32>, vector<16xi32>], vector<16xf32>,
      %gather3A_502 = tpu.vector_load_idx %arg14[%add3A_299, %broadcast_in_dim3A_500] : memref<512x64xf32, #tpu.memory_space<vmem>>[vector<16xi32>, vector<16xi32>], vector<16xf32>,
      %mul3A_503 = arith.mulf %gather3A_501, %gather3A_502 : vector<16xf32>
      %add3A_504 = arith.addf %add3A_498, %mul3A_503 : vector<16xf32>
      %broadcast_in_dim3A_505 = arith.constant 34 : i32
      %broadcast_in_dim3A_506 = vector.broadcast %broadcast_in_dim3A_505 : i32 to vector<16xi32>
      %gather3A_507 = tpu.vector_load_idx %arg13[%add3A_299, %broadcast_in_dim3A_506] : memref<512x64xf32, #tpu.memory_space<vmem>>[vector<16xi32>, vector<16xi32>], vector<16xf32>,
      %gather3A_508 = tpu.vector_load_idx %arg14[%add3A_299, %broadcast_in_dim3A_506] : memref<512x64xf32, #tpu.memory_space<vmem>>[vector<16xi32>, vector<16xi32>], vector<16xf32>,
      %mul3A_509 = arith.mulf %gather3A_507, %gather3A_508 : vector<16xf32>
      %add3A_510 = arith.addf %add3A_504, %mul3A_509 : vector<16xf32>
      %broadcast_in_dim3A_511 = arith.constant 35 : i32
      %broadcast_in_dim3A_512 = vector.broadcast %broadcast_in_dim3A_511 : i32 to vector<16xi32>
      %gather3A_513 = tpu.vector_load_idx %arg13[%add3A_299, %broadcast_in_dim3A_512] : memref<512x64xf32, #tpu.memory_space<vmem>>[vector<16xi32>, vector<16xi32>], vector<16xf32>,
      %gather3A_514 = tpu.vector_load_idx %arg14[%add3A_299, %broadcast_in_dim3A_512] : memref<512x64xf32, #tpu.memory_space<vmem>>[vector<16xi32>, vector<16xi32>], vector<16xf32>,
      %mul3A_515 = arith.mulf %gather3A_513, %gather3A_514 : vector<16xf32>
      %add3A_516 = arith.addf %add3A_510, %mul3A_515 : vector<16xf32>
      %broadcast_in_dim3A_517 = arith.constant 36 : i32
      %broadcast_in_dim3A_518 = vector.broadcast %broadcast_in_dim3A_517 : i32 to vector<16xi32>
      %gather3A_519 = tpu.vector_load_idx %arg13[%add3A_299, %broadcast_in_dim3A_518] : memref<512x64xf32, #tpu.memory_space<vmem>>[vector<16xi32>, vector<16xi32>], vector<16xf32>,
      %gather3A_520 = tpu.vector_load_idx %arg14[%add3A_299, %broadcast_in_dim3A_518] : memref<512x64xf32, #tpu.memory_space<vmem>>[vector<16xi32>, vector<16xi32>], vector<16xf32>,
      %mul3A_521 = arith.mulf %gather3A_519, %gather3A_520 : vector<16xf32>
      %add3A_522 = arith.addf %add3A_516, %mul3A_521 : vector<16xf32>
      %broadcast_in_dim3A_523 = arith.constant 37 : i32
      %broadcast_in_dim3A_524 = vector.broadcast %broadcast_in_dim3A_523 : i32 to vector<16xi32>
      %gather3A_525 = tpu.vector_load_idx %arg13[%add3A_299, %broadcast_in_dim3A_524] : memref<512x64xf32, #tpu.memory_space<vmem>>[vector<16xi32>, vector<16xi32>], vector<16xf32>,
      %gather3A_526 = tpu.vector_load_idx %arg14[%add3A_299, %broadcast_in_dim3A_524] : memref<512x64xf32, #tpu.memory_space<vmem>>[vector<16xi32>, vector<16xi32>], vector<16xf32>,
      %mul3A_527 = arith.mulf %gather3A_525, %gather3A_526 : vector<16xf32>
      %add3A_528 = arith.addf %add3A_522, %mul3A_527 : vector<16xf32>
      %broadcast_in_dim3A_529 = arith.constant 38 : i32
      %broadcast_in_dim3A_530 = vector.broadcast %broadcast_in_dim3A_529 : i32 to vector<16xi32>
      %gather3A_531 = tpu.vector_load_idx %arg13[%add3A_299, %broadcast_in_dim3A_530] : memref<512x64xf32, #tpu.memory_space<vmem>>[vector<16xi32>, vector<16xi32>], vector<16xf32>,
      %gather3A_532 = tpu.vector_load_idx %arg14[%add3A_299, %broadcast_in_dim3A_530] : memref<512x64xf32, #tpu.memory_space<vmem>>[vector<16xi32>, vector<16xi32>], vector<16xf32>,
      %mul3A_533 = arith.mulf %gather3A_531, %gather3A_532 : vector<16xf32>
      %add3A_534 = arith.addf %add3A_528, %mul3A_533 : vector<16xf32>
      %broadcast_in_dim3A_535 = arith.constant 39 : i32
      %broadcast_in_dim3A_536 = vector.broadcast %broadcast_in_dim3A_535 : i32 to vector<16xi32>
      %gather3A_537 = tpu.vector_load_idx %arg13[%add3A_299, %broadcast_in_dim3A_536] : memref<512x64xf32, #tpu.memory_space<vmem>>[vector<16xi32>, vector<16xi32>], vector<16xf32>,
      %gather3A_538 = tpu.vector_load_idx %arg14[%add3A_299, %broadcast_in_dim3A_536] : memref<512x64xf32, #tpu.memory_space<vmem>>[vector<16xi32>, vector<16xi32>], vector<16xf32>,
      %mul3A_539 = arith.mulf %gather3A_537, %gather3A_538 : vector<16xf32>
      %add3A_540 = arith.addf %add3A_534, %mul3A_539 : vector<16xf32>
      %broadcast_in_dim3A_541 = arith.constant 40 : i32
      %broadcast_in_dim3A_542 = vector.broadcast %broadcast_in_dim3A_541 : i32 to vector<16xi32>
      %gather3A_543 = tpu.vector_load_idx %arg13[%add3A_299, %broadcast_in_dim3A_542] : memref<512x64xf32, #tpu.memory_space<vmem>>[vector<16xi32>, vector<16xi32>], vector<16xf32>,
      %gather3A_544 = tpu.vector_load_idx %arg14[%add3A_299, %broadcast_in_dim3A_542] : memref<512x64xf32, #tpu.memory_space<vmem>>[vector<16xi32>, vector<16xi32>], vector<16xf32>,
      %mul3A_545 = arith.mulf %gather3A_543, %gather3A_544 : vector<16xf32>
      %add3A_546 = arith.addf %add3A_540, %mul3A_545 : vector<16xf32>
      %broadcast_in_dim3A_547 = arith.constant 41 : i32
      %broadcast_in_dim3A_548 = vector.broadcast %broadcast_in_dim3A_547 : i32 to vector<16xi32>
      %gather3A_549 = tpu.vector_load_idx %arg13[%add3A_299, %broadcast_in_dim3A_548] : memref<512x64xf32, #tpu.memory_space<vmem>>[vector<16xi32>, vector<16xi32>], vector<16xf32>,
      %gather3A_550 = tpu.vector_load_idx %arg14[%add3A_299, %broadcast_in_dim3A_548] : memref<512x64xf32, #tpu.memory_space<vmem>>[vector<16xi32>, vector<16xi32>], vector<16xf32>,
      %mul3A_551 = arith.mulf %gather3A_549, %gather3A_550 : vector<16xf32>
      %add3A_552 = arith.addf %add3A_546, %mul3A_551 : vector<16xf32>
      %broadcast_in_dim3A_553 = arith.constant 42 : i32
      %broadcast_in_dim3A_554 = vector.broadcast %broadcast_in_dim3A_553 : i32 to vector<16xi32>
      %gather3A_555 = tpu.vector_load_idx %arg13[%add3A_299, %broadcast_in_dim3A_554] : memref<512x64xf32, #tpu.memory_space<vmem>>[vector<16xi32>, vector<16xi32>], vector<16xf32>,
      %gather3A_556 = tpu.vector_load_idx %arg14[%add3A_299, %broadcast_in_dim3A_554] : memref<512x64xf32, #tpu.memory_space<vmem>>[vector<16xi32>, vector<16xi32>], vector<16xf32>,
      %mul3A_557 = arith.mulf %gather3A_555, %gather3A_556 : vector<16xf32>
      %add3A_558 = arith.addf %add3A_552, %mul3A_557 : vector<16xf32>
      %broadcast_in_dim3A_559 = arith.constant 43 : i32
      %broadcast_in_dim3A_560 = vector.broadcast %broadcast_in_dim3A_559 : i32 to vector<16xi32>
      %gather3A_561 = tpu.vector_load_idx %arg13[%add3A_299, %broadcast_in_dim3A_560] : memref<512x64xf32, #tpu.memory_space<vmem>>[vector<16xi32>, vector<16xi32>], vector<16xf32>,
      %gather3A_562 = tpu.vector_load_idx %arg14[%add3A_299, %broadcast_in_dim3A_560] : memref<512x64xf32, #tpu.memory_space<vmem>>[vector<16xi32>, vector<16xi32>], vector<16xf32>,
      %mul3A_563 = arith.mulf %gather3A_561, %gather3A_562 : vector<16xf32>
      %add3A_564 = arith.addf %add3A_558, %mul3A_563 : vector<16xf32>
      %broadcast_in_dim3A_565 = arith.constant 44 : i32
      %broadcast_in_dim3A_566 = vector.broadcast %broadcast_in_dim3A_565 : i32 to vector<16xi32>
      %gather3A_567 = tpu.vector_load_idx %arg13[%add3A_299, %broadcast_in_dim3A_566] : memref<512x64xf32, #tpu.memory_space<vmem>>[vector<16xi32>, vector<16xi32>], vector<16xf32>,
      %gather3A_568 = tpu.vector_load_idx %arg14[%add3A_299, %broadcast_in_dim3A_566] : memref<512x64xf32, #tpu.memory_space<vmem>>[vector<16xi32>, vector<16xi32>], vector<16xf32>,
      %mul3A_569 = arith.mulf %gather3A_567, %gather3A_568 : vector<16xf32>
      %add3A_570 = arith.addf %add3A_564, %mul3A_569 : vector<16xf32>
      %broadcast_in_dim3A_571 = arith.constant 45 : i32
      %broadcast_in_dim3A_572 = vector.broadcast %broadcast_in_dim3A_571 : i32 to vector<16xi32>
      %gather3A_573 = tpu.vector_load_idx %arg13[%add3A_299, %broadcast_in_dim3A_572] : memref<512x64xf32, #tpu.memory_space<vmem>>[vector<16xi32>, vector<16xi32>], vector<16xf32>,
      %gather3A_574 = tpu.vector_load_idx %arg14[%add3A_299, %broadcast_in_dim3A_572] : memref<512x64xf32, #tpu.memory_space<vmem>>[vector<16xi32>, vector<16xi32>], vector<16xf32>,
      %mul3A_575 = arith.mulf %gather3A_573, %gather3A_574 : vector<16xf32>
      %add3A_576 = arith.addf %add3A_570, %mul3A_575 : vector<16xf32>
      %broadcast_in_dim3A_577 = arith.constant 46 : i32
      %broadcast_in_dim3A_578 = vector.broadcast %broadcast_in_dim3A_577 : i32 to vector<16xi32>
      %gather3A_579 = tpu.vector_load_idx %arg13[%add3A_299, %broadcast_in_dim3A_578] : memref<512x64xf32, #tpu.memory_space<vmem>>[vector<16xi32>, vector<16xi32>], vector<16xf32>,
      %gather3A_580 = tpu.vector_load_idx %arg14[%add3A_299, %broadcast_in_dim3A_578] : memref<512x64xf32, #tpu.memory_space<vmem>>[vector<16xi32>, vector<16xi32>], vector<16xf32>,
      %mul3A_581 = arith.mulf %gather3A_579, %gather3A_580 : vector<16xf32>
      %add3A_582 = arith.addf %add3A_576, %mul3A_581 : vector<16xf32>
      %broadcast_in_dim3A_583 = arith.constant 47 : i32
      %broadcast_in_dim3A_584 = vector.broadcast %broadcast_in_dim3A_583 : i32 to vector<16xi32>
      %gather3A_585 = tpu.vector_load_idx %arg13[%add3A_299, %broadcast_in_dim3A_584] : memref<512x64xf32, #tpu.memory_space<vmem>>[vector<16xi32>, vector<16xi32>], vector<16xf32>,
      %gather3A_586 = tpu.vector_load_idx %arg14[%add3A_299, %broadcast_in_dim3A_584] : memref<512x64xf32, #tpu.memory_space<vmem>>[vector<16xi32>, vector<16xi32>], vector<16xf32>,
      %mul3A_587 = arith.mulf %gather3A_585, %gather3A_586 : vector<16xf32>
      %add3A_588 = arith.addf %add3A_582, %mul3A_587 : vector<16xf32>
      %broadcast_in_dim3A_589 = arith.constant 48 : i32
      %broadcast_in_dim3A_590 = vector.broadcast %broadcast_in_dim3A_589 : i32 to vector<16xi32>
      %gather3A_591 = tpu.vector_load_idx %arg13[%add3A_299, %broadcast_in_dim3A_590] : memref<512x64xf32, #tpu.memory_space<vmem>>[vector<16xi32>, vector<16xi32>], vector<16xf32>,
      %gather3A_592 = tpu.vector_load_idx %arg14[%add3A_299, %broadcast_in_dim3A_590] : memref<512x64xf32, #tpu.memory_space<vmem>>[vector<16xi32>, vector<16xi32>], vector<16xf32>,
      %mul3A_593 = arith.mulf %gather3A_591, %gather3A_592 : vector<16xf32>
      %add3A_594 = arith.addf %add3A_588, %mul3A_593 : vector<16xf32>
      %broadcast_in_dim3A_595 = arith.constant 49 : i32
      %broadcast_in_dim3A_596 = vector.broadcast %broadcast_in_dim3A_595 : i32 to vector<16xi32>
      %gather3A_597 = tpu.vector_load_idx %arg13[%add3A_299, %broadcast_in_dim3A_596] : memref<512x64xf32, #tpu.memory_space<vmem>>[vector<16xi32>, vector<16xi32>], vector<16xf32>,
      %gather3A_598 = tpu.vector_load_idx %arg14[%add3A_299, %broadcast_in_dim3A_596] : memref<512x64xf32, #tpu.memory_space<vmem>>[vector<16xi32>, vector<16xi32>], vector<16xf32>,
      %mul3A_599 = arith.mulf %gather3A_597, %gather3A_598 : vector<16xf32>
      %add3A_600 = arith.addf %add3A_594, %mul3A_599 : vector<16xf32>
      %broadcast_in_dim3A_601 = arith.constant 50 : i32
      %broadcast_in_dim3A_602 = vector.broadcast %broadcast_in_dim3A_601 : i32 to vector<16xi32>
      %gather3A_603 = tpu.vector_load_idx %arg13[%add3A_299, %broadcast_in_dim3A_602] : memref<512x64xf32, #tpu.memory_space<vmem>>[vector<16xi32>, vector<16xi32>], vector<16xf32>,
      %gather3A_604 = tpu.vector_load_idx %arg14[%add3A_299, %broadcast_in_dim3A_602] : memref<512x64xf32, #tpu.memory_space<vmem>>[vector<16xi32>, vector<16xi32>], vector<16xf32>,
      %mul3A_605 = arith.mulf %gather3A_603, %gather3A_604 : vector<16xf32>
      %add3A_606 = arith.addf %add3A_600, %mul3A_605 : vector<16xf32>
      %broadcast_in_dim3A_607 = arith.constant 51 : i32
      %broadcast_in_dim3A_608 = vector.broadcast %broadcast_in_dim3A_607 : i32 to vector<16xi32>
      %gather3A_609 = tpu.vector_load_idx %arg13[%add3A_299, %broadcast_in_dim3A_608] : memref<512x64xf32, #tpu.memory_space<vmem>>[vector<16xi32>, vector<16xi32>], vector<16xf32>,
      %gather3A_610 = tpu.vector_load_idx %arg14[%add3A_299, %broadcast_in_dim3A_608] : memref<512x64xf32, #tpu.memory_space<vmem>>[vector<16xi32>, vector<16xi32>], vector<16xf32>,
      %mul3A_611 = arith.mulf %gather3A_609, %gather3A_610 : vector<16xf32>
      %add3A_612 = arith.addf %add3A_606, %mul3A_611 : vector<16xf32>
      %broadcast_in_dim3A_613 = arith.constant 52 : i32
      %broadcast_in_dim3A_614 = vector.broadcast %broadcast_in_dim3A_613 : i32 to vector<16xi32>
      %gather3A_615 = tpu.vector_load_idx %arg13[%add3A_299, %broadcast_in_dim3A_614] : memref<512x64xf32, #tpu.memory_space<vmem>>[vector<16xi32>, vector<16xi32>], vector<16xf32>,
      %gather3A_616 = tpu.vector_load_idx %arg14[%add3A_299, %broadcast_in_dim3A_614] : memref<512x64xf32, #tpu.memory_space<vmem>>[vector<16xi32>, vector<16xi32>], vector<16xf32>,
      %mul3A_617 = arith.mulf %gather3A_615, %gather3A_616 : vector<16xf32>
      %add3A_618 = arith.addf %add3A_612, %mul3A_617 : vector<16xf32>
      %broadcast_in_dim3A_619 = arith.constant 53 : i32
      %broadcast_in_dim3A_620 = vector.broadcast %broadcast_in_dim3A_619 : i32 to vector<16xi32>
      %gather3A_621 = tpu.vector_load_idx %arg13[%add3A_299, %broadcast_in_dim3A_620] : memref<512x64xf32, #tpu.memory_space<vmem>>[vector<16xi32>, vector<16xi32>], vector<16xf32>,
      %gather3A_622 = tpu.vector_load_idx %arg14[%add3A_299, %broadcast_in_dim3A_620] : memref<512x64xf32, #tpu.memory_space<vmem>>[vector<16xi32>, vector<16xi32>], vector<16xf32>,
      %mul3A_623 = arith.mulf %gather3A_621, %gather3A_622 : vector<16xf32>
      %add3A_624 = arith.addf %add3A_618, %mul3A_623 : vector<16xf32>
      %broadcast_in_dim3A_625 = arith.constant 54 : i32
      %broadcast_in_dim3A_626 = vector.broadcast %broadcast_in_dim3A_625 : i32 to vector<16xi32>
      %gather3A_627 = tpu.vector_load_idx %arg13[%add3A_299, %broadcast_in_dim3A_626] : memref<512x64xf32, #tpu.memory_space<vmem>>[vector<16xi32>, vector<16xi32>], vector<16xf32>,
      %gather3A_628 = tpu.vector_load_idx %arg14[%add3A_299, %broadcast_in_dim3A_626] : memref<512x64xf32, #tpu.memory_space<vmem>>[vector<16xi32>, vector<16xi32>], vector<16xf32>,
      %mul3A_629 = arith.mulf %gather3A_627, %gather3A_628 : vector<16xf32>
      %add3A_630 = arith.addf %add3A_624, %mul3A_629 : vector<16xf32>
      %broadcast_in_dim3A_631 = arith.constant 55 : i32
      %broadcast_in_dim3A_632 = vector.broadcast %broadcast_in_dim3A_631 : i32 to vector<16xi32>
      %gather3A_633 = tpu.vector_load_idx %arg13[%add3A_299, %broadcast_in_dim3A_632] : memref<512x64xf32, #tpu.memory_space<vmem>>[vector<16xi32>, vector<16xi32>], vector<16xf32>,
      %gather3A_634 = tpu.vector_load_idx %arg14[%add3A_299, %broadcast_in_dim3A_632] : memref<512x64xf32, #tpu.memory_space<vmem>>[vector<16xi32>, vector<16xi32>], vector<16xf32>,
      %mul3A_635 = arith.mulf %gather3A_633, %gather3A_634 : vector<16xf32>
      %add3A_636 = arith.addf %add3A_630, %mul3A_635 : vector<16xf32>
      %broadcast_in_dim3A_637 = arith.constant 56 : i32
      %broadcast_in_dim3A_638 = vector.broadcast %broadcast_in_dim3A_637 : i32 to vector<16xi32>
      %gather3A_639 = tpu.vector_load_idx %arg13[%add3A_299, %broadcast_in_dim3A_638] : memref<512x64xf32, #tpu.memory_space<vmem>>[vector<16xi32>, vector<16xi32>], vector<16xf32>,
      %gather3A_640 = tpu.vector_load_idx %arg14[%add3A_299, %broadcast_in_dim3A_638] : memref<512x64xf32, #tpu.memory_space<vmem>>[vector<16xi32>, vector<16xi32>], vector<16xf32>,
      %mul3A_641 = arith.mulf %gather3A_639, %gather3A_640 : vector<16xf32>
      %add3A_642 = arith.addf %add3A_636, %mul3A_641 : vector<16xf32>
      %broadcast_in_dim3A_643 = arith.constant 57 : i32
      %broadcast_in_dim3A_644 = vector.broadcast %broadcast_in_dim3A_643 : i32 to vector<16xi32>
      %gather3A_645 = tpu.vector_load_idx %arg13[%add3A_299, %broadcast_in_dim3A_644] : memref<512x64xf32, #tpu.memory_space<vmem>>[vector<16xi32>, vector<16xi32>], vector<16xf32>,
      %gather3A_646 = tpu.vector_load_idx %arg14[%add3A_299, %broadcast_in_dim3A_644] : memref<512x64xf32, #tpu.memory_space<vmem>>[vector<16xi32>, vector<16xi32>], vector<16xf32>,
      %mul3A_647 = arith.mulf %gather3A_645, %gather3A_646 : vector<16xf32>
      %add3A_648 = arith.addf %add3A_642, %mul3A_647 : vector<16xf32>
      %broadcast_in_dim3A_649 = arith.constant 58 : i32
      %broadcast_in_dim3A_650 = vector.broadcast %broadcast_in_dim3A_649 : i32 to vector<16xi32>
      %gather3A_651 = tpu.vector_load_idx %arg13[%add3A_299, %broadcast_in_dim3A_650] : memref<512x64xf32, #tpu.memory_space<vmem>>[vector<16xi32>, vector<16xi32>], vector<16xf32>,
      %gather3A_652 = tpu.vector_load_idx %arg14[%add3A_299, %broadcast_in_dim3A_650] : memref<512x64xf32, #tpu.memory_space<vmem>>[vector<16xi32>, vector<16xi32>], vector<16xf32>,
      %mul3A_653 = arith.mulf %gather3A_651, %gather3A_652 : vector<16xf32>
      %add3A_654 = arith.addf %add3A_648, %mul3A_653 : vector<16xf32>
      %broadcast_in_dim3A_655 = arith.constant 59 : i32
      %broadcast_in_dim3A_656 = vector.broadcast %broadcast_in_dim3A_655 : i32 to vector<16xi32>
      %gather3A_657 = tpu.vector_load_idx %arg13[%add3A_299, %broadcast_in_dim3A_656] : memref<512x64xf32, #tpu.memory_space<vmem>>[vector<16xi32>, vector<16xi32>], vector<16xf32>,
      %gather3A_658 = tpu.vector_load_idx %arg14[%add3A_299, %broadcast_in_dim3A_656] : memref<512x64xf32, #tpu.memory_space<vmem>>[vector<16xi32>, vector<16xi32>], vector<16xf32>,
      %mul3A_659 = arith.mulf %gather3A_657, %gather3A_658 : vector<16xf32>
      %add3A_660 = arith.addf %add3A_654, %mul3A_659 : vector<16xf32>
      %broadcast_in_dim3A_661 = arith.constant 60 : i32
      %broadcast_in_dim3A_662 = vector.broadcast %broadcast_in_dim3A_661 : i32 to vector<16xi32>
      %gather3A_663 = tpu.vector_load_idx %arg13[%add3A_299, %broadcast_in_dim3A_662] : memref<512x64xf32, #tpu.memory_space<vmem>>[vector<16xi32>, vector<16xi32>], vector<16xf32>,
      %gather3A_664 = tpu.vector_load_idx %arg14[%add3A_299, %broadcast_in_dim3A_662] : memref<512x64xf32, #tpu.memory_space<vmem>>[vector<16xi32>, vector<16xi32>], vector<16xf32>,
      %mul3A_665 = arith.mulf %gather3A_663, %gather3A_664 : vector<16xf32>
      %add3A_666 = arith.addf %add3A_660, %mul3A_665 : vector<16xf32>
      %broadcast_in_dim3A_667 = arith.constant 61 : i32
      %broadcast_in_dim3A_668 = vector.broadcast %broadcast_in_dim3A_667 : i32 to vector<16xi32>
      %gather3A_669 = tpu.vector_load_idx %arg13[%add3A_299, %broadcast_in_dim3A_668] : memref<512x64xf32, #tpu.memory_space<vmem>>[vector<16xi32>, vector<16xi32>], vector<16xf32>,
      %gather3A_670 = tpu.vector_load_idx %arg14[%add3A_299, %broadcast_in_dim3A_668] : memref<512x64xf32, #tpu.memory_space<vmem>>[vector<16xi32>, vector<16xi32>], vector<16xf32>,
      %mul3A_671 = arith.mulf %gather3A_669, %gather3A_670 : vector<16xf32>
      %add3A_672 = arith.addf %add3A_666, %mul3A_671 : vector<16xf32>
      %broadcast_in_dim3A_673 = arith.constant 62 : i32
      %broadcast_in_dim3A_674 = vector.broadcast %broadcast_in_dim3A_673 : i32 to vector<16xi32>
      %gather3A_675 = tpu.vector_load_idx %arg13[%add3A_299, %broadcast_in_dim3A_674] : memref<512x64xf32, #tpu.memory_space<vmem>>[vector<16xi32>, vector<16xi32>], vector<16xf32>,
      %gather3A_676 = tpu.vector_load_idx %arg14[%add3A_299, %broadcast_in_dim3A_674] : memref<512x64xf32, #tpu.memory_space<vmem>>[vector<16xi32>, vector<16xi32>], vector<16xf32>,
      %mul3A_677 = arith.mulf %gather3A_675, %gather3A_676 : vector<16xf32>
      %add3A_678 = arith.addf %add3A_672, %mul3A_677 : vector<16xf32>
      %broadcast_in_dim3A_679 = arith.constant 63 : i32
      %broadcast_in_dim3A_680 = vector.broadcast %broadcast_in_dim3A_679 : i32 to vector<16xi32>
      %gather3A_681 = tpu.vector_load_idx %arg13[%add3A_299, %broadcast_in_dim3A_680] : memref<512x64xf32, #tpu.memory_space<vmem>>[vector<16xi32>, vector<16xi32>], vector<16xf32>,
      %gather3A_682 = tpu.vector_load_idx %arg14[%add3A_299, %broadcast_in_dim3A_680] : memref<512x64xf32, #tpu.memory_space<vmem>>[vector<16xi32>, vector<16xi32>], vector<16xf32>,
      %mul3A_683 = arith.mulf %gather3A_681, %gather3A_682 : vector<16xf32>
      %add3A_684 = arith.addf %add3A_678, %mul3A_683 : vector<16xf32>
      %mul3A_685 = arith.constant 16 : i32
      %mul3A_686 = arith.muli %scan3A_294, %mul3A_685 : i32
      %get3A = arith.index_cast %mul3A_686 : i32 to index
      %get3A_687 = tpu.vector_load %arg15[%get3A] {strides = array<i32>} : memref<512xf32, #tpu.memory_space<vmem>>, vector<16xf32>,
      %add3A_688 = arith.addf %add3A_684, %get3A_687 : vector<16xf32>
      %get3A_689 = arith.index_cast %mul3A_686 : i32 to index
      %get3A_690 = tpu.vector_load %arg16[%get3A_689] {strides = array<i32>} : memref<512xf32, #tpu.memory_space<vmem>>, vector<16xf32>,
      %add3A_691 = arith.addf %add3A_688, %get3A_690 : vector<16xf32>
      %get3A_692 = arith.index_cast %mul3A_686 : i32 to index
      %get3A_693 = tpu.vector_load %arg17[%get3A_692] {strides = array<i32>} : memref<512xf32, #tpu.memory_space<vmem>>, vector<16xf32>,
      %sub3A = arith.subf %add3A_691, %get3A_693 : vector<16xf32>
      %get3A_694 = arith.index_cast %mul3A_686 : i32 to index
      %get3A_695 = tpu.vector_load %arg18[%get3A_694] {strides = array<i32>} : memref<512xf32, #tpu.memory_space<vmem>>, vector<16xf32>,
      %mul3A_696 = arith.mulf %get3A_695, %sub3A : vector<16xf32>
      %mul3A_697 = arith.mulf %mul3A_696, %sub3A : vector<16xf32>
      %add3A_698 = arith.addf %scan3A_295, %mul3A_697 : vector<16xf32>
      scf.yield %add3A_698 : vector<16xf32>
    }
    %scan3A_292 = arith.constant 32 : i32
    %swap3A = arith.constant 0 : index
    %swap3A_293 = tpu.vector_load %arg19[%swap3A] {strides = array<i32>} : memref<16xf32, #tpu.memory_space<vmem>>, vector<16xf32>,
    tpu.vector_store %arg19[%swap3A], %scan3A_291 {strides = array<i32>} : memref<16xf32, #tpu.memory_space<vmem>>, vector<16xf32>,
    "tpu.region"() ({
      %run_scoped3A = tpu.sem_alloc : memref<!tpu.dma_semaphore, #tpu.memory_space<semaphore_mem>>
      %dma_start3A_294 = arith.constant 0 : i32
      %dma_start3A_295 = tpu.memref_slice %arg10[%add3A, %dma_start3A_294] : memref<32x16xf32, #tpu.memory_space<hbm>> -> memref<1x16xf32, #tpu.memory_space<hbm>>
      %dma_start3A_296 = tpu.memref_squeeze %dma_start3A_295 : memref<1x16xf32, #tpu.memory_space<hbm>> -> memref<16xf32, #tpu.memory_space<hbm>>
      %dma_start3A_297 = arith.constant 0 : i32
      %dma_start3A_298 = tpu.memref_slice %arg10[%add3A, %dma_start3A_297] : memref<32x16xf32, #tpu.memory_space<hbm>> -> memref<1x16xf32, #tpu.memory_space<hbm>>
      %dma_start3A_299 = tpu.memref_squeeze %dma_start3A_298 : memref<1x16xf32, #tpu.memory_space<hbm>> -> memref<16xf32, #tpu.memory_space<hbm>>
      tpu.enqueue_dma source(%arg19 : memref<16xf32, #tpu.memory_space<vmem>>) target(%dma_start3A_299 : memref<16xf32, #tpu.memory_space<hbm>>) target_semaphore(%run_scoped3A : memref<!tpu.dma_semaphore, #tpu.memory_space<semaphore_mem>>)
      %dma_wait3A_300 = arith.constant 0 : i32
      %dma_wait3A_301 = tpu.memref_slice %arg10[%add3A, %dma_wait3A_300] : memref<32x16xf32, #tpu.memory_space<hbm>> -> memref<1x16xf32, #tpu.memory_space<hbm>>
      %dma_wait3A_302 = tpu.memref_squeeze %dma_wait3A_301 : memref<1x16xf32, #tpu.memory_space<hbm>> -> memref<16xf32, #tpu.memory_space<hbm>>
      %dma_wait3A_303 = arith.constant 0 : i32
      %dma_wait3A_304 = tpu.memref_slice %arg10[%add3A, %dma_wait3A_303] : memref<32x16xf32, #tpu.memory_space<hbm>> -> memref<1x16xf32, #tpu.memory_space<hbm>>
      %dma_wait3A_305 = tpu.memref_squeeze %dma_wait3A_304 : memref<1x16xf32, #tpu.memory_space<hbm>> -> memref<16xf32, #tpu.memory_space<hbm>>
      tpu.wait_dma2 semaphore(%run_scoped3A : memref<!tpu.dma_semaphore, #tpu.memory_space<semaphore_mem>>) src(%arg19 : memref<16xf32, #tpu.memory_space<vmem>>) dst(%dma_wait3A_305 : memref<16xf32, #tpu.memory_space<hbm>>)
      tpu.yield
    }) : () -> ()
    return
  }
}

</mosaic_0001>

<sc_bundles>
// kernel: _glove_sc.3.cloned.1.call-start
scs
__scs_entry_jumppad:
0x0: {  	(pc) =	sbr.rel $0x88, $3  }
0x1: {  	(tag) =	ssettag $0x0;
	lr =	simm.s32 $0x1  }
0x2: {  	[smem:$0x3F99] =	sst lr;
	_ =	strace $0xD0000000  }
0x3: {  	_ = 	snop  }
0x4: {  	_ = 	snop  }
0x5: {  	_ = 	snop  }
0x6: {  	_ = 	snop  }
0x7: {  	_ = 	snop  }
__scs_overlays_trampoline_lowered:
0x8: {  	[smem:$0x3FA8] =	sst s0  }
0x9: {  	[smem:$0x3FA9] =	sst s1  }
0xa: {  	[smem:$0x3FAA] =	sst s2  }
0xb: {  	[smem:$0x3FAB] =	sst s3  }
0xc: {  	[smem:$0x3FAC] =	sst s4  }
0xd: {  	[smem:$0x3FAD] =	sst s5  }
0xe: {  	[smem:$0x3FAE] =	sst s6  }
0xf: {  	[smem:$0x3FAF] =	sst s7  }
0x10: {  	[smem:$0x3FB0] =	sst s8  }
0x11: {  	[smem:$0x3FB1] =	sst s9;
	s0 =	simm.s32 @!p0 $0x0  }
0x12: {  	s1 =	sld [smem:$0x3F97];
	s0 =	simm.s32 @p0 $0x1  }
0x13: {  	[smem:$0x3FB2] =	sst s0;
	s0 =	simm.s32 @!p1 $0x0  }
0x14: {  	s2 =	sld [smem:$0x3F96];
	s0 =	simm.s32 @p1 $0x1  }
0x15: {  	[smem:$0x3FB3] =	sst s0;
	s0 =	simm.s32 @!p2 $0x0  }
0x16: {  	s3 =	sld [smem:$0x3FDB];
	s0 =	simm.s32 @p2 $0x1  }
0x17: {  	s4 =	simm.s32 $0x1BF5;
	[smem:$0x3FB5] =	sst s0  }
0x18: {  	s0 =	sld [smem:$0x3F98];
	_ =	swait.ge [sflag:s4], $0x0  }
0x19: {  	s7 =	sld [smem:$0x3F99]  }
0x1a: {  	s8 =	sadd.s32 $0xFFFFE003, lr  }
0x1b: {  	s9 =	sadd.s32 $0xFFFFFEF7, lr;
	s5 =	simm.s32 $0xFFFFFFFF;
	p2 =	slt.u32 s8, $0xFFFFF086  }
0x1c: {  	p1 =	slt.u32 s9, $0xF7A;
	s5 =	simm.s32 @!p2 $0x0  }
0x1d: {  	s5 =	simm.s32 @p1 $0x1;
	p0 =	seq.s32 s7, s2  }
0x1e: {  	s7 =	smul.u32 @!p0 $0xF7A, s2;
	p2 =	seq.s32 @!p0 s5, $0x0  }
0x1f: {  	s9 =	smul.u32 $0xF7A, s1;
	s8 =	simm.s32 @!p0 $0x1BF5;
	p2 =	por !p2, p0  }
0x20: {  	[sflag:s8] =	ssyncset.s32 @!p0 $0xFFFFF086;
	s6 =	sadd.s32 @!p0 s3, s7;
	s7 =	simm.s32 @!p0 $0x108  }
0x21: {  	s3 =	sadd.s32 s3, s9;
	s6 =	sadd.s32 @!p0 $0x88, s6;
	s7 =	simm.s32 @p2 $0x1082  }
0x22: {  	[simem:s7], [sflag:s8] =	dma.local @!p0 [hbm:s6], $0xF7A  }
0x23: {  	s9 =	sor.u32 $0xD0000000, s2;
	s6 =	simm.s32 $0x108;
	_ =	swait.ge @!p0 [sflag:s8], $0x0  }
0x24: {  	s3 =	sadd.s32 $0x88, s3;
	s6 =	simm.s32 @!p1 $0x1082;
	[sflag:s4] =	ssyncset.s32 $0xFFFFF086  }
0x25: {  	[simem:s6], [sflag:s4] =	dma.local [hbm:s3], $0xF7A  }
0x26: {  	[smem:$0x3F99] =	sst s1;
	(tag) =	ssettag s2;
	_ =	strace s9  }
0x27: {  	s1 =	sld [smem:$0x3FA9]  }
0x28: {  	s2 =	sld [smem:$0x3FAA]  }
0x29: {  	s4 =	sld [smem:$0x3FAC]  }
0x2a: {  	p0 =	seq.s32 s5, $0x0;
	s5 =	sld [smem:$0x3FAD]  }
0x2b: {  	s6 =	sld [smem:$0x3FAE]  }
0x2c: {  	s7 =	sld [smem:$0x3FAF]  }
0x2d: {  	s3 =	simm.s32 $0x108;
	s8 =	sld [smem:$0x3FB0]  }
0x2e: {  	s3 =	simm.s32 @!p0 $0x1082;
	s9 =	sld [smem:$0x3FB1]  }
0x2f: {  	lr =	sadd.s32 s0, s3;
	s0 =	sld [smem:$0x3FA8]  }
0x30: {  	s3 =	sld [smem:$0x3FAB]  }
0x31: {  	[smem:$0x3FB4] =	sst s10  }
0x32: {  	s10 =	sld [smem:$0x3FB2];
	_ =	sdelay $0x3  }
0x33: {  	p0 =	seq.s32 s10, $0x1;
	s10 =	sld [smem:$0x3FB4];
	_ =	sdelay $0x3  }
0x34: {  	[smem:$0x3FB4] =	sst s10  }
0x35: {  	s10 =	sld [smem:$0x3FB3];
	_ =	sdelay $0x3  }
0x36: {  	p1 =	seq.s32 s10, $0x1;
	s10 =	sld [smem:$0x3FB4];
	_ =	sdelay $0x3  }
0x37: {  	[smem:$0x3FB4] =	sst s10  }
0x38: {  	s10 =	sld [smem:$0x3FB5]  }
0x39: {  	_ = 	snop;
	(pc) =	sbr.ind lr, $3  }
0x3a: {  	_ = 	snop  }
0x3b: {  	_ = 	snop  }
0x3c: {  	p2 =	seq.s32 s10, $0x1;
	s10 =	sld [smem:$0x3FB4]  }
0x3d: {  	_ =	shalt  }
0x3e: {  	_ =	shalt  }
0x3f: {  	_ =	shalt  }
0x40: {  	_ =	shalt  }
0x41: {  	_ =	shalt  }
0x42: {  	_ =	shalt  }
0x43: {  	_ =	shalt  }
0x44: {  	_ =	shalt  }
0x45: {  	_ =	shalt  }
0x46: {  	_ =	shalt  }
0x47: {  	_ =	shalt  }
0x48: {  	_ =	shalt  }
0x49: {  	_ =	shalt  }
0x4a: {  	_ =	shalt  }
0x4b: {  	_ =	shalt  }
0x4c: {  	_ =	shalt  }
0x4d: {  	_ =	shalt  }
0x4e: {  	_ =	shalt  }
0x4f: {  	_ =	shalt  }
0x50: {  	_ =	shalt  }
0x51: {  	_ =	shalt  }
0x52: {  	_ =	shalt  }
0x53: {  	_ =	shalt  }
0x54: {  	_ =	shalt  }
0x55: {  	_ =	shalt  }
0x56: {  	_ =	shalt  }
0x57: {  	_ =	shalt  }
0x58: {  	_ =	shalt  }
0x59: {  	_ =	shalt  }
0x5a: {  	_ =	shalt  }
0x5b: {  	_ =	shalt  }
0x5c: {  	_ =	shalt  }
0x5d: {  	_ =	shalt  }
0x5e: {  	_ =	shalt  }
0x5f: {  	_ =	shalt  }
0x60: {  	_ =	shalt  }
0x61: {  	_ =	shalt  }
0x62: {  	_ =	shalt  }
0x63: {  	_ =	shalt  }
0x64: {  	_ =	shalt  }
0x65: {  	_ =	shalt  }
0x66: {  	_ =	shalt  }
0x67: {  	_ =	shalt  }
0x68: {  	_ =	shalt  }
0x69: {  	_ =	shalt  }
0x6a: {  	_ =	shalt  }
0x6b: {  	_ =	shalt  }
0x6c: {  	_ =	shalt  }
0x6d: {  	_ =	shalt  }
0x6e: {  	_ =	shalt  }
0x6f: {  	_ =	shalt  }
0x70: {  	_ =	shalt  }
0x71: {  	_ =	shalt  }
0x72: {  	_ =	shalt  }
0x73: {  	_ =	shalt  }
0x74: {  	_ =	shalt  }
0x75: {  	_ =	shalt  }
0x76: {  	_ =	shalt  }
0x77: {  	_ =	shalt  }
0x78: {  	_ =	shalt  }
0x79: {  	_ =	shalt  }
0x7a: {  	_ =	shalt  }
0x7b: {  	_ =	shalt  }
0x7c: {  	_ =	shalt  }
0x7d: {  	_ =	shalt  }
0x7e: {  	_ =	shalt  }
0x7f: {  	_ =	shalt  }
0x80: {  	_ =	shalt  }
0x81: {  	_ =	shalt  }
0x82: {  	_ =	shalt  }
0x83: {  	_ =	shalt  }
0x84: {  	_ =	shalt  }
0x85: {  	_ =	shalt  }
0x86: {  	_ =	shalt  }
0x87: {  	_ =	shalt  }
.Lfunc_end0:
.L_simem_size_0:
called_computation_lowered:
.L_overlay_start_0:
0x88: {  	s2 =	sld [smem:$0x3FD9]  }
0x89: {  	s3 =	sld [smem:$0x3FFE];
	_ =	sdelay $0x1  }
0x8a: {  	s1 =	srdreg.scid  }
0x8b: {  	s0 =	sand.u32 $0x1, s1  }
0x8c: {  	s17 =	sshll.u32 s0, $0xA;
	s2 =	sadd.s32 s3, s2  }
0x8d: {  	s2 =	sadd.s32 s2, s17  }
0x8e: {  	[smem:$0x3FC0] =	sst s2  }
0x8f: {  	_ = 	snop  }
0x90: {  	s2 =	sld [smem:$0x3FC9]  }
0x91: {  	s18 =	sld [smem:$0x3FC8]  }
0x92: {  	s4 =	sld [smem:$0x3FC3]  }
0x93: {  	s5 =	sld [smem:$0x3FC2]  }
0x94: {  	s6 =	sld [smem:$0x3FD0];
	(tm) =	ssettm $0x1  }
0x95: {  	s7 =	sld [smem:$0x3FFB];
	_ =	sdelay $0x3  }
0x96: {  	_ =	strace s7  }
0x97: {  	s7 =	sld [smem:$0x3FFC];
	_ =	sdelay $0x3  }
0x98: {  	_ =	strace s7  }
0x99: {  	s7 =	sld [smem:$0x3FFD];
	_ =	sdelay $0x3  }
0x9a: {  	_ =	strace s7  }
0x9b: {  	_ =	strace $0x8FFFFFFF  }
0x9c: {  	s19 =	sld [smem:$0x3FDB];
	_ =	sdelay $0x1  }
0x9d: {  	s8 =	simm.s32 $_scs_section_size  }
0x9e: {  	s9 =	simm.s32 $_size__tile_overlayer_lowered;
	s10 =	simm.s32 $_tile_overlayer_lowered  }
0x9f: {  	s22 =	simm.s32 $0x1BFF;
	s21 =	sshll.u32 s10, $0x1;
	s7 =	sadd.s32 s8, s19  }
0xa0: {  	s11 =	simm.s32 $0x0;
	s20 =	sshll.u32 s9, $0x1;
	s9 =	sadd.s32 s21, s7  }
0xa1: {  	[timem:s11], [sflag:s22] =	dma.local [hbm:s9], s20  }
0xa2: {  	_ =	swait.ge [sflag:s22], s20  }
0xa3: {  	s8 =	ssub.s32 $0x0, s20;
	[sflag:s22] =	ssyncset.done $0x0  }
0xa4: {  	[sflag:s22] =	ssyncadd.s32 s8;
	_ =	sdelay $0x1  }
0xa5: {  	s23 =	simm.s32 $0x1B8B  }
0xa6: {  	_ =	swait.ge [sflag:s23], $0x1  }
0xa7: {  	[sflag:s23] =	ssyncset.done $0x0  }
0xa8: {  	s25 =	simm.s32 $0x1B8E;
	s24 =	sld [smem:$0x3FFE];
	[sflag:s23] =	ssyncadd.s32 $0xFFFFFFFF  }
0xa9: {  	s26 =	simm.s32 $execute0_lowered;
	[smem:$0x3FD2] =	sst s25  }
0xaa: {  	s9 =	sshll.u32 s26, $0x1;
	_ =	strace $0x80000046;
	[dreg:$0x1] =	wrdreg $0xFFFFFFFF  }
0xab: {  	s28 =	simm.s32 $_size_execute0_lowered;
	s7 =	sadd.s32 s7, s9;
	[dreg:$0x0] =	wrdreg $0x0  }
0xac: {  	s9 =	sshll.u32 s28, $0x1;
	[dreg:$0x2] =	wrdreg s7  }
0xad: {  	[dreg:$0x3] =	wrdreg s9  }
0xae: {  	[dreg:$0x4] =	wrdreg $0xC0  }
0xaf: {  	_ =	task [dreg:s11], $0x5FFFF  }
0xb0: {  	[dreg:$0x1] =	wrdreg $0xFFFFFFFF  }
0xb1: {  	[dreg:$0x0] =	wrdreg $0x60  }
0xb2: {  	[dreg:$0x2] =	wrdreg s2  }
0xb3: {  	[dreg:$0x3] =	wrdreg s18  }
0xb4: {  	[dreg:$0x4] =	wrdreg s24  }
0xb5: {  	[dreg:$0x5] =	wrdreg s4  }
0xb6: {  	[dreg:$0x6] =	wrdreg s5  }
0xb7: {  	[dreg:$0x7] =	wrdreg s6  }
0xb8: {  	[dreg:$0x8] =	wrdreg $0x9  }
0xb9: {  	_ =	task.clear_ibuf [dreg:s11], $0x9FFFF;
	_ =	strace $0x90000046  }
0xba: {  	s29 =	simm.s32 $0x9;
	_ =	strace $0x80000048  }
0xbb: {  	_ =	swait.ge [sflag:s29], $0x1  }
0xbc: {  	[sflag:s29] =	ssyncadd.s32 $0xFFFFFFFF  }
0xbd: {  	_ =	strace $0x90000048  }
0xbe: {  	_ =	sfence  }
0xbf: {  	s30 =	sld [smem:$0x0];
	_ =	sdelay $0x2  }
0xc0: {  	s31 =	sshll.u32 s1, $0xD;
	s1 =	sshrl.u32 s1, $0x2  }
0xc1: {  	s3 =	sand.u32 $0x4000, s31;
	s1 =	sadd.s32 s1, s30  }
0xc2: {  	s0 =	sor.u32 s3, s0;
	s1 =	sshll.u32 s1, $0x11  }
0xc3: {  	s0 =	sor.u32 s1, s0  }
0xc4: {  	s0 =	sadd.s32 $0x8F2B, s0  }
0xc5: {  	[sflag:s0] =	ssyncadd.remote.s32 $0x1  }
0xc6: {  	_ =	sfence.sel $0xFFFF  }
0xc7: {  	[dreg:$0x0] =	wrdreg $0xFFFFFFFF;
	(pc) =	sbr.abs _section_cstart, $3  }
0xc8: {  	[dreg:$0x1] =	wrdreg $0xFFFFFFFF  }
0xc9: {  	_ =	task.clear_ibuf [dreg:s11], $0x2FFFF;
	_ =	strace $0x9FFFFFFF  }
0xca: {  	(tm) =	ssettm $0x7FFFFFFF  }
0xcb: {  	_ =	shalt  }
tec
execute0_lowered:
.L_overlay_start_1:
0x0: {  	(tag) =	ssettag $0x1  }
0x1: {  	s0 =	rddreg [dreg:$0x0]  }
0x2: {  	s2 =	rddreg [dreg:$0x1]  }
0x3: {  	s6 =	rddreg [dreg:$0x2]  }
0x4: {  	s1 =	rddreg [dreg:$0x3]  }
0x5: {  	s3 =	rddreg [dreg:$0x4]  }
0x6: {  	s4 =	srdreg.scid;
	s7 =	stileid.u32  }
0x7: {  	s11 =	rddreg [dreg:$0x5];
	s14 =	simm.s32 $0x200;
	s15 =	simm.s32 $0x80  }
0x8: {  	s16 =	simm.s32 $0x400;
	s17 =	simm.s32 $0x1;
	s18 =	simm.s32 $0x8400  }
0x9: {  	s20 =	simm.s32 $0x280;
	s24 =	simm.s32 $0x100;
	s26 =	simm.s32 $0x300  }
0xa: {  	s31 =	simm.s32 $0x180;
	s21 =	simm.s32 $0x10580;
	s22 =	simm.s32 $0x10780  }
0xb: {  	s23 =	simm.s32 $0x10C00;
	s5 =	sand.u32 $0x1, s4;
	s7 =	sshll.u32 s7, $0x1  }
0xc: {  	s25 =	simm.s32 $0x0;
	s4 =	simm.s32 $0x0;
	s12 =	sor.u32 s5, s7  }
0xd: {  	[smem:$0x7FF] =	sst s4;
	s29 =	ssub.s32 $0x2, s5;
	s5 =	sadd.s32 $0x16E3E00, s6  }
0xe: {  	s8 =	sshll.u32 s12, $0x6;
	_ =	strace $0x80000047;
	s9 =	sshrl.u32 s29, $0x1  }
0xf: {  	s30 =	sshll.u32 s12, $0x1;
	s10 =	sadd.s32 s8, s6;
	s6 =	sadd.s32 $0xF42C00, s6  }
0x10: {  	v0 =	vlaneseq.u32;
	s13 =	ssub.s32 s29, s9;
	s7 =	sadd.s32 s0, s8;
	s8 =	sadd.s32 s2, s8  }
0x11: {  	v0 =	vmul.u32 $0x40, v0;
	s11 =	sadd.s32 s11, s30;
	s0 =	simm.s32 $0x380;
	s9 =	sadd.s32 $0x1000, s10  }
0x12: {  	s10 =	sadd.s32 $0x800, s10;
	s12 =	smax.u32 s13, $0x1;
	s13 =	simm.s32 $0x2  }
.LBB2_1:
0x13: {  	[tilespmem:s4], [sflag:$0x2] =	stream.linear.gather [hbm4b:s7+s4], $0x200, $0x38;
	[tilespmem:$0x10C10] =	vst v63  }
0x14: {  	_ =	swait.ge [sflag:s13], $0x200  }
0x15: {  	[sflag:s13] =	ssyncset.done $0x0  }
0x16: {  	[sflag:s13] =	ssyncadd.s32 $0xFFFFFE00  }
0x17: {  	[tilespmem:s14], [sflag:$0x2] =	stream.linear.gather [hbm4b:s8+s4], $0x200, $0x38;
	[tilespmem:$0x10C10] =	vst v63  }
0x18: {  	_ =	swait.ge [sflag:s13], $0x200  }
0x19: {  	[sflag:s13] =	ssyncset.done $0x0  }
0x1a: {  	s29 =	simm.s32 $0x10800;
	[sflag:s13] =	ssyncadd.s32 $0xFFFFFE00  }
0x1b: {  	[tilespmem:s29], [sflag:$0x2] =	stream.linear.gather [hbm4b:s9+s4], $0x200, $0x38;
	[tilespmem:$0x10C10] =	vst v63  }
0x1c: {  	_ =	swait.ge [sflag:s13], $0x200  }
0x1d: {  	[sflag:s13] =	ssyncset.done $0x0  }
0x1e: {  	s28 =	simm.s32 $0x10A00;
	[sflag:s13] =	ssyncadd.s32 $0xFFFFFE00  }
0x1f: {  	[tilespmem:s28], [sflag:$0x2] =	stream.linear.gather [hbm4b:s10+s4], $0x200, $0x38;
	[tilespmem:$0x10C10] =	vst v63  }
0x20: {  	_ =	swait.ge [sflag:s13], $0x200  }
0x21: {  	[sflag:s13] =	ssyncset.done $0x0  }
0x22: {  	[sflag:s13] =	ssyncadd.s32 $0xFFFFFE00  }
0x23: {  	[tilespmem:s16], [sflag:$0x1] =	stream.indirect.gather [hbm4b:s5+s15], $0x40, s4, s15, $0xb8;
	[tilespmem:$0x10C10] =	vst v63  }
0x24: {  	_ =	swait.ge [sflag:s17], $0x2000  }
0x25: {  	[sflag:s17] =	ssyncset.done $0x0  }
0x26: {  	[sflag:s17] =	ssyncadd.s32 $0xFFFFE000  }
0x27: {  	[tilespmem:s18], [sflag:$0x1] =	stream.indirect.gather [hbm4b:s6+s15], $0x40, s14, s15, $0xb8;
	[tilespmem:$0x10C10] =	vst v63  }
0x28: {  	_ =	swait.ge [sflag:s17], $0x2000  }
0x29: {  	[sflag:s17] =	ssyncset.done $0x0  }
0x2a: {  	s30 =	simm.s32 $0x10400;
	[sflag:s17] =	ssyncadd.s32 $0xFFFFE000  }
0x2b: {  	[tilespmem:s30], [sflag:$0x1] =	stream.indirect.gather [hbm4b:s1+s15], $0x1, s4, s15, $0xb8;
	[tilespmem:$0x10C10] =	vst v63  }
0x2c: {  	_ =	swait.ge [sflag:s17], $0x80  }
0x2d: {  	[sflag:s17] =	ssyncset.done $0x0  }
0x2e: {  	s2 =	simm.s32 $0x10600;
	[sflag:s17] =	ssyncadd.s32 $0xFFFFFF80  }
0x2f: {  	[tilespmem:s2], [sflag:$0x1] =	stream.indirect.gather [hbm4b:s3+s15], $0x1, s14, s15, $0xb8;
	[tilespmem:$0x10C10] =	vst v63  }
0x30: {  	_ =	swait.ge [sflag:s17], $0x80  }
0x31: {  	[sflag:s17] =	ssyncset.done $0x0  }
0x32: {  	s19 =	simm.s32 $0x2400;
	[sflag:s17] =	ssyncadd.s32 $0xFFFFFF80  }
0x33: {  	[tilespmem:s19], [sflag:$0x1] =	stream.indirect.gather [hbm4b:s5+s15], $0x40, s15, s15, $0xb8;
	[tilespmem:$0x10C10] =	vst v63  }
0x34: {  	_ =	swait.ge [sflag:s17], $0x2000  }
0x35: {  	[sflag:s17] =	ssyncset.done $0x0  }
0x36: {  	s19 =	simm.s32 $0xA400;
	[sflag:s17] =	ssyncadd.s32 $0xFFFFE000  }
0x37: {  	[tilespmem:s19], [sflag:$0x1] =	stream.indirect.gather [hbm4b:s6+s15], $0x40, s20, s15, $0xb8;
	[tilespmem:$0x10C10] =	vst v63  }
0x38: {  	_ =	swait.ge [sflag:s17], $0x2000  }
0x39: {  	[sflag:s17] =	ssyncset.done $0x0  }
0x3a: {  	s19 =	simm.s32 $0x10480;
	[sflag:s17] =	ssyncadd.s32 $0xFFFFE000  }
0x3b: {  	[tilespmem:s19], [sflag:$0x1] =	stream.indirect.gather [hbm4b:s1+s15], $0x1, s15, s15, $0xb8;
	[tilespmem:$0x10C10] =	vst v63  }
0x3c: {  	_ =	swait.ge [sflag:s17], $0x80  }
0x3d: {  	[sflag:s17] =	ssyncset.done $0x0  }
0x3e: {  	s19 =	simm.s32 $0x10680;
	[sflag:s17] =	ssyncadd.s32 $0xFFFFFF80  }
0x3f: {  	[tilespmem:s19], [sflag:$0x1] =	stream.indirect.gather [hbm4b:s3+s15], $0x1, s20, s15, $0xb8;
	[tilespmem:$0x10C10] =	vst v63  }
0x40: {  	_ =	swait.ge [sflag:s17], $0x80  }
0x41: {  	[sflag:s17] =	ssyncset.done $0x0  }
0x42: {  	s19 =	simm.s32 $0x4400;
	[sflag:s17] =	ssyncadd.s32 $0xFFFFFF80  }
0x43: {  	[tilespmem:s19], [sflag:$0x1] =	stream.indirect.gather [hbm4b:s5+s15], $0x40, s24, s15, $0xb8;
	[tilespmem:$0x10C10] =	vst v63  }
0x44: {  	_ =	swait.ge [sflag:s17], $0x2000  }
0x45: {  	[sflag:s17] =	ssyncset.done $0x0  }
0x46: {  	s19 =	simm.s32 $0xC400;
	[sflag:s17] =	ssyncadd.s32 $0xFFFFE000  }
0x47: {  	[tilespmem:s19], [sflag:$0x1] =	stream.indirect.gather [hbm4b:s6+s15], $0x40, s26, s15, $0xb8;
	[tilespmem:$0x10C10] =	vst v63  }
0x48: {  	_ =	swait.ge [sflag:s17], $0x2000  }
0x49: {  	[sflag:s17] =	ssyncset.done $0x0  }
0x4a: {  	s19 =	simm.s32 $0x10500;
	[sflag:s17] =	ssyncadd.s32 $0xFFFFE000  }
0x4b: {  	[tilespmem:s19], [sflag:$0x1] =	stream.indirect.gather [hbm4b:s1+s15], $0x1, s24, s15, $0xb8;
	[tilespmem:$0x10C10] =	vst v63  }
0x4c: {  	_ =	swait.ge [sflag:s17], $0x80  }
0x4d: {  	[sflag:s17] =	ssyncset.done $0x0  }
0x4e: {  	s19 =	simm.s32 $0x10700;
	[sflag:s17] =	ssyncadd.s32 $0xFFFFFF80  }
0x4f: {  	[tilespmem:s19], [sflag:$0x1] =	stream.indirect.gather [hbm4b:s3+s15], $0x1, s26, s15, $0xb8;
	[tilespmem:$0x10C10] =	vst v63  }
0x50: {  	_ =	swait.ge [sflag:s17], $0x80  }
0x51: {  	[sflag:s17] =	ssyncset.done $0x0  }
0x52: {  	s19 =	simm.s32 $0x6400;
	[sflag:s17] =	ssyncadd.s32 $0xFFFFFF80  }
0x53: {  	[tilespmem:s19], [sflag:$0x1] =	stream.indirect.gather [hbm4b:s5+s15], $0x40, s31, s15, $0xb8;
	[tilespmem:$0x10C10] =	vst v63  }
0x54: {  	_ =	swait.ge [sflag:s17], $0x2000  }
0x55: {  	[sflag:s17] =	ssyncset.done $0x0  }
0x56: {  	s19 =	simm.s32 $0xE400;
	[sflag:s17] =	ssyncadd.s32 $0xFFFFE000  }
0x57: {  	[tilespmem:s19], [sflag:$0x1] =	stream.indirect.gather [hbm4b:s6+s15], $0x40, s0, s15, $0xb8;
	[tilespmem:$0x10C10] =	vst v63  }
0x58: {  	_ =	swait.ge [sflag:s17], $0x2000  }
0x59: {  	[sflag:s17] =	ssyncset.done $0x0  }
0x5a: {  	[sflag:s17] =	ssyncadd.s32 $0xFFFFE000  }
0x5b: {  	v1 =	vmov s4;
	[tilespmem:s21], [sflag:$0x1] =	stream.indirect.gather [hbm4b:s1+s15], $0x1, s31, s15, $0xb8;
	[tilespmem:$0x10C10] =	vst v63  }
0x5c: {  	v1 =	vshll.u32 v1, $0x6;
	_ =	swait.ge [sflag:s17], $0x80  }
0x5d: {  	v1 =	vor.u32 v0, v1;
	[sflag:s17] =	ssyncset.done $0x0  }
0x5e: {  	v2 =	vor.u32 $0x1, v1;
	[sflag:s17] =	ssyncadd.s32 $0xFFFFFF80  }
0x5f: {  	[tilespmem:s22], [sflag:$0x1] =	stream.indirect.gather [hbm4b:s3+s15], $0x1, s0, s15, $0xb8;
	[tilespmem:$0x10C10] =	vst v63  }
0x60: {  	v54 =	vor.u32 $0x1B, v1;
	_ =	swait.ge [sflag:s17], $0x80  }
0x61: {  	[sflag:s17] =	ssyncset.done $0x0  }
0x62: {  	[sflag:s17] =	ssyncadd.s32 $0xFFFFFF80  }
0x63: {  	v10 =	vld.idx.msk [tilespmem:v2+s16+$0x0], $0xffff  }
0x64: {  	v8 =	vld.idx.msk [tilespmem:v2+s18+$0x0], $0xffff  }
0x65: {  	v56 =	vor.u32 $0x1C, v1;
	v2 =	vld.idx.msk [tilespmem:v54+s16+$0x0], $0xffff;
	_ =	sdelay $0x4  }
0x66: {  	v58 =	vor.u32 $0x1D, v1;
	[tilespmem:$0x1FBC0] =	vst v2;
	v2 =	vld.idx.msk [tilespmem:v56+s16+$0x0], $0xffff;
	_ =	sdelay $0x1  }
0x67: {  	v4 =	vor.u32 $0x2, v1;
	_ =	sdelay $0x1  }
0x68: {  	v62 =	vor.u32 $0x1F, v1  }
0x69: {  	v60 =	vor.u32 $0x1E, v1;
	[tilespmem:$0x1FBD0] =	vst v2;
	v2 =	vld.idx.msk [tilespmem:v58+s16+$0x0], $0xffff;
	_ =	sdelay $0x1  }
0x6a: {  	v14 =	vld.idx.msk [tilespmem:v4+s16+$0x0], $0xffff  }
0x6b: {  	v12 =	vld.idx.msk [tilespmem:v4+s18+$0x0], $0xffff  }
0x6c: {  	v4 =	vld.idx.msk [tilespmem:v62+s16+$0x0], $0xffff  }
0x6d: {  	v3 =	vld.idx.msk [tilespmem:v60+s16+$0x0], $0xffff;
	[tilespmem:$0x1FBE0] =	vst v2;
	v2 =	vor.u32 $0x20, v1;
	_ =	sdelay $0x3  }
0x6e: {  	[tilespmem:$0x1FC00] =	vst v4;
	v4 =	vld.idx.msk [tilespmem:v62+s18+$0x0], $0xffff  }
0x6f: {  	[tilespmem:$0x1FBF0] =	vst v3;
	v3 =	vor.u32 $0x21, v1;
	v5 =	vld.idx.msk [tilespmem:v2+s16+$0x0], $0xffff;
	_ =	sdelay $0x3  }
0x70: {  	[tilespmem:$0x1FC10] =	vst v4;
	v2 =	vld.idx.msk [tilespmem:v2+s18+$0x0], $0xffff  }
0x71: {  	v4 =	vor.u32 $0x22, v1;
	[tilespmem:$0x1FC20] =	vst v5;
	v5 =	vld.idx.msk [tilespmem:v3+s16+$0x0], $0xffff;
	_ =	sdelay $0x3  }
0x72: {  	[tilespmem:$0x1FC30] =	vst v2;
	v3 =	vld.idx.msk [tilespmem:v3+s18+$0x0], $0xffff  }
0x73: {  	v2 =	vor.u32 $0x23, v1;
	[tilespmem:$0x1FC40] =	vst v5;
	v5 =	vld.idx.msk [tilespmem:v4+s16+$0x0], $0xffff;
	_ =	sdelay $0x3  }
0x74: {  	[tilespmem:$0x1FC50] =	vst v3;
	v4 =	vld.idx.msk [tilespmem:v4+s18+$0x0], $0xffff  }
0x75: {  	v3 =	vor.u32 $0x24, v1;
	[tilespmem:$0x1FC60] =	vst v5;
	v5 =	vld.idx.msk [tilespmem:v2+s16+$0x0], $0xffff;
	_ =	sdelay $0x3  }
0x76: {  	[tilespmem:$0x1FC70] =	vst v4;
	v2 =	vld.idx.msk [tilespmem:v2+s18+$0x0], $0xffff  }
0x77: {  	v4 =	vor.u32 $0x25, v1;
	[tilespmem:$0x1FC80] =	vst v5;
	v5 =	vld.idx.msk [tilespmem:v3+s16+$0x0], $0xffff;
	_ =	sdelay $0x3  }
0x78: {  	[tilespmem:$0x1FC90] =	vst v2;
	v3 =	vld.idx.msk [tilespmem:v3+s18+$0x0], $0xffff  }
0x79: {  	v2 =	vor.u32 $0x26, v1;
	[tilespmem:$0x1FCA0] =	vst v5;
	v5 =	vld.idx.msk [tilespmem:v4+s16+$0x0], $0xffff;
	_ =	sdelay $0x3  }
0x7a: {  	[tilespmem:$0x1FCB0] =	vst v3;
	v4 =	vld.idx.msk [tilespmem:v4+s18+$0x0], $0xffff  }
0x7b: {  	v3 =	vor.u32 $0x27, v1;
	[tilespmem:$0x1FCC0] =	vst v5;
	v5 =	vld.idx.msk [tilespmem:v2+s16+$0x0], $0xffff;
	_ =	sdelay $0x3  }
0x7c: {  	[tilespmem:$0x1FCD0] =	vst v4;
	v2 =	vld.idx.msk [tilespmem:v2+s18+$0x0], $0xffff  }
0x7d: {  	v4 =	vor.u32 $0x28, v1;
	[tilespmem:$0x1FCE0] =	vst v5;
	v5 =	vld.idx.msk [tilespmem:v3+s16+$0x0], $0xffff;
	_ =	sdelay $0x3  }
0x7e: {  	[tilespmem:$0x1FCF0] =	vst v2;
	v3 =	vld.idx.msk [tilespmem:v3+s18+$0x0], $0xffff  }
0x7f: {  	v2 =	vor.u32 $0x29, v1;
	[tilespmem:$0x1FD00] =	vst v5;
	v5 =	vld.idx.msk [tilespmem:v4+s16+$0x0], $0xffff;
	_ =	sdelay $0x3  }
0x80: {  	[tilespmem:$0x1FD10] =	vst v3;
	v4 =	vld.idx.msk [tilespmem:v4+s18+$0x0], $0xffff  }
0x81: {  	v3 =	vor.u32 $0x2A, v1;
	[tilespmem:$0x1FD20] =	vst v5;
	v5 =	vld.idx.msk [tilespmem:v2+s16+$0x0], $0xffff;
	_ =	sdelay $0x3  }
0x82: {  	[tilespmem:$0x1FD30] =	vst v4;
	v2 =	vld.idx.msk [tilespmem:v2+s18+$0x0], $0xffff  }
0x83: {  	v4 =	vor.u32 $0x2B, v1;
	[tilespmem:$0x1FD40] =	vst v5;
	v5 =	vld.idx.msk [tilespmem:v3+s16+$0x0], $0xffff;
	_ =	sdelay $0x3  }
0x84: {  	[tilespmem:$0x1FD50] =	vst v2;
	v3 =	vld.idx.msk [tilespmem:v3+s18+$0x0], $0xffff  }
0x85: {  	v2 =	vor.u32 $0x2C, v1;
	[tilespmem:$0x1FD60] =	vst v5;
	v5 =	vld.idx.msk [tilespmem:v4+s16+$0x0], $0xffff;
	_ =	sdelay $0x3  }
0x86: {  	[tilespmem:$0x1FD70] =	vst v3;
	v4 =	vld.idx.msk [tilespmem:v4+s18+$0x0], $0xffff  }
0x87: {  	v3 =	vor.u32 $0x2D, v1;
	[tilespmem:$0x1FD80] =	vst v5;
	v5 =	vld.idx.msk [tilespmem:v2+s16+$0x0], $0xffff;
	_ =	sdelay $0x3  }
0x88: {  	[tilespmem:$0x1FD90] =	vst v4;
	v2 =	vld.idx.msk [tilespmem:v2+s18+$0x0], $0xffff  }
0x89: {  	v4 =	vor.u32 $0x2E, v1;
	[tilespmem:$0x1FDA0] =	vst v5;
	v5 =	vld.idx.msk [tilespmem:v3+s16+$0x0], $0xffff;
	_ =	sdelay $0x3  }
0x8a: {  	[tilespmem:$0x1FDB0] =	vst v2;
	v3 =	vld.idx.msk [tilespmem:v3+s18+$0x0], $0xffff  }
0x8b: {  	v2 =	vor.u32 $0x2F, v1;
	[tilespmem:$0x1FDC0] =	vst v5;
	v5 =	vld.idx.msk [tilespmem:v4+s16+$0x0], $0xffff;
	_ =	sdelay $0x3  }
0x8c: {  	[tilespmem:$0x1FDD0] =	vst v3;
	v4 =	vld.idx.msk [tilespmem:v4+s18+$0x0], $0xffff  }
0x8d: {  	v3 =	vor.u32 $0x30, v1;
	[tilespmem:$0x1FDE0] =	vst v5;
	v5 =	vld.idx.msk [tilespmem:v2+s16+$0x0], $0xffff;
	_ =	sdelay $0x3  }
0x8e: {  	[tilespmem:$0x1FDF0] =	vst v4;
	v2 =	vld.idx.msk [tilespmem:v2+s18+$0x0], $0xffff  }
0x8f: {  	v4 =	vor.u32 $0x31, v1;
	[tilespmem:$0x1FE00] =	vst v5;
	v5 =	vld.idx.msk [tilespmem:v3+s16+$0x0], $0xffff;
	_ =	sdelay $0x3  }
0x90: {  	[tilespmem:$0x1FE10] =	vst v2;
	v3 =	vld.idx.msk [tilespmem:v3+s18+$0x0], $0xffff  }
0x91: {  	v2 =	vor.u32 $0x32, v1;
	[tilespmem:$0x1FE20] =	vst v5;
	v5 =	vld.idx.msk [tilespmem:v4+s16+$0x0], $0xffff;
	_ =	sdelay $0x3  }
0x92: {  	[tilespmem:$0x1FE30] =	vst v3;
	v4 =	vld.idx.msk [tilespmem:v4+s18+$0x0], $0xffff  }
0x93: {  	v3 =	vor.u32 $0x33, v1;
	[tilespmem:$0x1FE40] =	vst v5;
	v5 =	vld.idx.msk [tilespmem:v2+s16+$0x0], $0xffff;
	_ =	sdelay $0x3  }
0x94: {  	[tilespmem:$0x1FE50] =	vst v4;
	v2 =	vld.idx.msk [tilespmem:v2+s18+$0x0], $0xffff  }
0x95: {  	v4 =	vor.u32 $0x34, v1;
	[tilespmem:$0x1FE60] =	vst v5;
	v5 =	vld.idx.msk [tilespmem:v3+s16+$0x0], $0xffff;
	_ =	sdelay $0x3  }
0x96: {  	[tilespmem:$0x1FE70] =	vst v2  }
0x97: {  	v2 =	vor.u32 $0x35, v1;
	[tilespmem:$0x1FE80] =	vst v5;
	v5 =	vld.idx.msk [tilespmem:v4+s16+$0x0], $0xffff  }
0x98: {  	v3 =	vld.idx.msk [tilespmem:v3+s18+$0x0], $0xffff;
	_ =	sdelay $0x2  }
0x99: {  	v6 =	vor.u32 $0x3, v1  }
0x9a: {  	[tilespmem:$0x1FEA0] =	vst v5;
	v5 =	vld.idx.msk [tilespmem:v2+s16+$0x0], $0xffff  }
0x9b: {  	[tilespmem:$0x1FE90] =	vst v3;
	v3 =	vor.u32 $0x36, v1;
	v2 =	vld.idx.msk [tilespmem:v2+s18+$0x0], $0xffff  }
0x9c: {  	v7 =	vor.u32 $0x4, v1;
	v4 =	vld.idx.msk [tilespmem:v4+s18+$0x0], $0xffff;
	_ =	sdelay $0x1  }
0x9d: {  	v9 =	vor.u32 $0x5, v1;
	v17 =	vld.idx.msk [tilespmem:v6+s16+$0x0], $0xffff  }
0x9e: {  	v15 =	vld.idx.msk [tilespmem:v6+s18+$0x0], $0xffff  }
0x9f: {  	[tilespmem:$0x1FED0] =	vst v2;
	v2 =	vld.idx.msk [tilespmem:v3+s16+$0x0], $0xffff  }
0xa0: {  	v19 =	vld.idx.msk [tilespmem:v7+s16+$0x0], $0xffff;
	[tilespmem:$0x1FEB0] =	vst v4;
	v4 =	vor.u32 $0x37, v1  }
0xa1: {  	v11 =	vor.u32 $0x6, v1;
	v7 =	vld.idx.msk [tilespmem:v7+s18+$0x0], $0xffff  }
0xa2: {  	v21 =	vld.idx.msk [tilespmem:v9+s16+$0x0], $0xffff  }
0xa3: {  	v13 =	vor.u32 $0x7, v1;
	v9 =	vld.idx.msk [tilespmem:v9+s18+$0x0], $0xffff  }
0xa4: {  	[tilespmem:$0x1FEE0] =	vst v2;
	v2 =	vld.idx.msk [tilespmem:v3+s18+$0x0], $0xffff  }
0xa5: {  	v3 =	vld.idx.msk [tilespmem:v4+s16+$0x0], $0xffff  }
0xa6: {  	v16 =	vor.u32 $0x8, v1;
	v23 =	vld.idx.msk [tilespmem:v11+s16+$0x0], $0xffff  }
0xa7: {  	v11 =	vld.idx.msk [tilespmem:v11+s18+$0x0], $0xffff  }
0xa8: {  	v18 =	vor.u32 $0x9, v1;
	v25 =	vld.idx.msk [tilespmem:v13+s16+$0x0], $0xffff  }
0xa9: {  	v13 =	vld.idx.msk [tilespmem:v13+s18+$0x0], $0xffff;
	[tilespmem:$0x1FEF0] =	vst v2  }
0xaa: {  	v2 =	vor.u32 $0x38, v1;
	[tilespmem:$0x1FF00] =	vst v3;
	v3 =	vld.idx.msk [tilespmem:v4+s18+$0x0], $0xffff  }
0xab: {  	v27 =	vld.idx.msk [tilespmem:v16+s16+$0x0], $0xffff  }
0xac: {  	v16 =	vld.idx.msk [tilespmem:v16+s18+$0x0], $0xffff  }
0xad: {  	v29 =	vld.idx.msk [tilespmem:v18+s16+$0x0], $0xffff  }
0xae: {  	v20 =	vor.u32 $0xA, v1;
	v18 =	vld.idx.msk [tilespmem:v18+s18+$0x0], $0xffff  }
0xaf: {  	[tilespmem:$0x1FF10] =	vst v3;
	v3 =	vor.u32 $0x39, v1;
	v62 =	vld.idx.msk [tilespmem:v2+s16+$0x0], $0xffff  }
0xb0: {  	v6 =	vld.idx.msk [tilespmem:v1+s16+$0x0], $0xffff  }
0xb1: {  	v22 =	vor.u32 $0xB, v1;
	[tilespmem:$0x1FEC0] =	vst v5;
	v5 =	vld.idx.msk [tilespmem:v1+s18+$0x0], $0xffff  }
0xb2: {  	v4 =	vor.u32 $0x3A, v1;
	v2 =	vld.idx.msk [tilespmem:v2+s18+$0x0], $0xffff  }
0xb3: {  	v31 =	vld.idx.msk [tilespmem:v20+s16+$0x0], $0xffff  }
0xb4: {  	[tilespmem:$0x1FF20] =	vst v62;
	v62 =	vld.idx.msk [tilespmem:v3+s16+$0x0], $0xffff  }
0xb5: {  	v20 =	vld.idx.msk [tilespmem:v20+s18+$0x0], $0xffff  }
0xb6: {  	v24 =	vor.u32 $0xC, v1;
	v33 =	vld.idx.msk [tilespmem:v22+s16+$0x0], $0xffff  }
0xb7: {  	v5 =	vmul.f32 v5, v6;
	v6 =	vld.idx.msk [tilespmem:v4+s16+$0x0], $0xffff;
	[tilespmem:$0x1FF30] =	vst v2;
	v2 =	vor.u32 $0x3B, v1  }
0xb8: {  	v22 =	vld.idx.msk [tilespmem:v22+s18+$0x0], $0xffff  }
0xb9: {  	[tilespmem:$0x1FF40] =	vst v62;
	v62 =	vld.idx.msk [tilespmem:v3+s18+$0x0], $0xffff;
	v3 =	vor.u32 $0x3C, v1  }
0xba: {  	v4 =	vld.idx.msk [tilespmem:v4+s18+$0x0], $0xffff  }
0xbb: {  	v35 =	vld.idx.msk [tilespmem:v24+s16+$0x0], $0xffff  }
0xbc: {  	v26 =	vor.u32 $0xD, v1;
	v5 =	vadd.f32 $0.0e+00, v5;
	[tilespmem:$0x1FF50] =	vst v6;
	v6 =	vmul.f32 v8, v10;
	v8 =	vld.idx.msk [tilespmem:v2+s16+$0x0], $0xffff  }
0xbd: {  	v2 =	vld.idx.msk [tilespmem:v2+s18+$0x0], $0xffff  }
0xbe: {  	v28 =	vor.u32 $0xE, v1;
	v5 =	vadd.f32 v6, v5;
	v6 =	vld.idx.msk [tilespmem:v3+s16+$0x0], $0xffff  }
0xbf: {  	v30 =	vor.u32 $0xF, v1;
	[tilespmem:$0x1FF60] =	vst v4;
	v4 =	vor.u32 $0x3D, v1;
	v3 =	vld.idx.msk [tilespmem:v3+s18+$0x0], $0xffff  }
0xc0: {  	v32 =	vor.u32 $0x10, v1;
	v34 =	vor.u32 $0x11, v1;
	v36 =	vor.u32 $0x12, v1;
	v24 =	vld.idx.msk [tilespmem:v24+s18+$0x0], $0xffff  }
0xc1: {  	v38 =	vor.u32 $0x13, v1;
	v40 =	vor.u32 $0x14, v1;
	v42 =	vor.u32 $0x15, v1;
	v37 =	vld.idx.msk [tilespmem:v26+s16+$0x0], $0xffff  }
0xc2: {  	v44 =	vor.u32 $0x16, v1;
	v46 =	vor.u32 $0x17, v1;
	v48 =	vor.u32 $0x18, v1;
	s19 =	simm.s32 $0x10;
	v26 =	vld.idx.msk [tilespmem:v26+s18+$0x0], $0xffff;
	[tilespmem:$0x1FF80] =	vst v2  }
0xc3: {  	v50 =	vor.u32 $0x19, v1;
	v52 =	vor.u32 $0x1A, v1;
	v39 =	vld.idx.msk [tilespmem:v28+s16+$0x0], $0xffff;
	[tilespmem:$0x1FF90] =	vst v6;
	v6 =	vmov s19  }
0xc4: {  	v2 =	vor.u32 $0x3E, v1;
	[tilespmem:$0x1FFA0] =	vst v3;
	v3 =	vor.u32 $0x3F, v1;
	v1 =	vshll.u32 v6, $0x6;
	v6 =	vld.idx.msk [tilespmem:v4+s16+$0x0], $0xffff  }
0xc5: {  	v28 =	vld.idx.msk [tilespmem:v28+s18+$0x0], $0xffff  }
0xc6: {  	v41 =	vld.idx.msk [tilespmem:v30+s16+$0x0], $0xffff  }
0xc7: {  	v30 =	vld.idx.msk [tilespmem:v30+s18+$0x0], $0xffff;
	[tilespmem:$0x1FF70] =	vst v8;
	v8 =	vmul.f32 v12, v14  }
0xc8: {  	v43 =	vld.idx.msk [tilespmem:v32+s16+$0x0], $0xffff  }
0xc9: {  	v32 =	vld.idx.msk [tilespmem:v32+s18+$0x0], $0xffff;
	v5 =	vadd.f32 v8, v5;
	[tilespmem:$0x1FFB0] =	vst v6;
	v6 =	vmul.f32 v15, v17  }
0xca: {  	v45 =	vld.idx.msk [tilespmem:v34+s16+$0x0], $0xffff  }
0xcb: {  	v34 =	vld.idx.msk [tilespmem:v34+s18+$0x0], $0xffff;
	v5 =	vadd.f32 v6, v5;
	v6 =	vmul.f32 v7, v19  }
0xcc: {  	v47 =	vld.idx.msk [tilespmem:v36+s16+$0x0], $0xffff  }
0xcd: {  	v36 =	vld.idx.msk [tilespmem:v36+s18+$0x0], $0xffff;
	v5 =	vadd.f32 v6, v5;
	v6 =	vmul.f32 v9, v21  }
0xce: {  	v49 =	vld.idx.msk [tilespmem:v38+s16+$0x0], $0xffff  }
0xcf: {  	v38 =	vld.idx.msk [tilespmem:v38+s18+$0x0], $0xffff;
	v5 =	vadd.f32 v6, v5;
	v6 =	vmul.f32 v11, v23  }
0xd0: {  	v51 =	vld.idx.msk [tilespmem:v40+s16+$0x0], $0xffff  }
0xd1: {  	v40 =	vld.idx.msk [tilespmem:v40+s18+$0x0], $0xffff;
	v5 =	vadd.f32 v6, v5;
	v6 =	vmul.f32 v13, v25  }
0xd2: {  	v53 =	vld.idx.msk [tilespmem:v42+s16+$0x0], $0xffff  }
0xd3: {  	v42 =	vld.idx.msk [tilespmem:v42+s18+$0x0], $0xffff;
	v5 =	vadd.f32 v6, v5;
	v6 =	vmul.f32 v16, v27  }
0xd4: {  	v55 =	vld.idx.msk [tilespmem:v44+s16+$0x0], $0xffff  }
0xd5: {  	v44 =	vld.idx.msk [tilespmem:v44+s18+$0x0], $0xffff;
	v5 =	vadd.f32 v6, v5;
	v6 =	vmul.f32 v18, v29  }
0xd6: {  	v57 =	vld.idx.msk [tilespmem:v46+s16+$0x0], $0xffff  }
0xd7: {  	v46 =	vld.idx.msk [tilespmem:v46+s18+$0x0], $0xffff;
	v5 =	vadd.f32 v6, v5;
	v6 =	vmul.f32 v20, v31  }
0xd8: {  	v59 =	vld.idx.msk [tilespmem:v48+s16+$0x0], $0xffff  }
0xd9: {  	v48 =	vld.idx.msk [tilespmem:v48+s18+$0x0], $0xffff;
	v5 =	vadd.f32 v6, v5;
	v6 =	vmul.f32 v22, v33  }
0xda: {  	v61 =	vld.idx.msk [tilespmem:v50+s16+$0x0], $0xffff  }
0xdb: {  	v50 =	vld.idx.msk [tilespmem:v50+s18+$0x0], $0xffff;
	v5 =	vadd.f32 v6, v5;
	v6 =	vmul.f32 v24, v35  }
0xdc: {  	v63 =	vld.idx.msk [tilespmem:v52+s16+$0x0], $0xffff  }
0xdd: {  	v8 =	vld.idx.msk [tilespmem:v2+s16+$0x0], $0xffff;
	v5 =	vadd.f32 v6, v5;
	v6 =	vmul.f32 v26, v37  }
0xde: {  	v2 =	vld.idx.msk [tilespmem:v2+s18+$0x0], $0xffff  }
0xdf: {  	v52 =	vld.idx.msk [tilespmem:v52+s18+$0x0], $0xffff;
	v5 =	vadd.f32 v6, v5;
	v6 =	vmul.f32 v28, v39  }
0xe0: {  	v4 =	vld.idx.msk [tilespmem:v4+s18+$0x0], $0xffff  }
0xe1: {  	v54 =	vld.idx.msk [tilespmem:v54+s18+$0x0], $0xffff;
	v1 =	vor.u32 v0, v1;
	v5 =	vadd.f32 v6, v5;
	v6 =	vmul.f32 v30, v41  }
0xe2: {  	v60 =	vld.idx.msk [tilespmem:v60+s18+$0x0], $0xffff  }
0xe3: {  	v56 =	vld.idx.msk [tilespmem:v56+s18+$0x0], $0xffff;
	[tilespmem:$0x1FFE0] =	vst v2;
	v2 =	vor.u32 $0x2, v1;
	v5 =	vadd.f32 v6, v5;
	v6 =	vmul.f32 v32, v43  }
0xe4: {  	v58 =	vld.idx.msk [tilespmem:v58+s18+$0x0], $0xffff  }
0xe5: {  	[tilespmem:$0x1FFC0] =	vst v4;
	v4 =	vor.u32 $0x1, v1;
	v7 =	vld.idx.msk [tilespmem:v3+s16+$0x0], $0xffff;
	v5 =	vadd.f32 v6, v5;
	v6 =	vmul.f32 v34, v45  }
0xe6: {  	v12 =	vld.idx.msk [tilespmem:v1+s16+$0x0], $0xffff  }
0xe7: {  	v21 =	vld.idx.msk [tilespmem:v3+s18+$0x0], $0xffff;
	v5 =	vadd.f32 v6, v5;
	v6 =	vmul.f32 v36, v47  }
0xe8: {  	[tilespmem:$0x1FFD0] =	vst v8;
	v3 =	vor.u32 $0x3, v1;
	v8 =	vld.idx.msk [tilespmem:v2+s16+$0x0], $0xffff  }
0xe9: {  	v2 =	vld.idx.msk [tilespmem:v2+s18+$0x0], $0xffff;
	v5 =	vadd.f32 v6, v5;
	v6 =	vmul.f32 v38, v49  }
0xea: {  	v9 =	vor.u32 $0x4, v1;
	[tilespmem:$0x1FFF0] =	vst v7;
	v7 =	vld.idx.msk [tilespmem:v4+s16+$0x0], $0xffff  }
0xeb: {  	v4 =	vld.idx.msk [tilespmem:v4+s18+$0x0], $0xffff;
	v5 =	vadd.f32 v6, v5;
	v6 =	vmul.f32 v40, v51  }
0xec: {  	v14 =	vor.u32 $0x6, v1;
	v13 =	vld.idx.msk [tilespmem:v1+s18+$0x0], $0xffff  }
0xed: {  	v10 =	vld.idx.msk [tilespmem:v3+s16+$0x0], $0xffff;
	v5 =	vadd.f32 v6, v5;
	v6 =	vmul.f32 v42, v53  }
0xee: {  	v11 =	vor.u32 $0x5, v1;
	v3 =	vld.idx.msk [tilespmem:v3+s18+$0x0], $0xffff  }
0xef: {  	v15 =	vld.idx.msk [tilespmem:v9+s16+$0x0], $0xffff;
	v5 =	vadd.f32 v6, v5;
	v6 =	vmul.f32 v44, v55  }
0xf0: {  	v9 =	vld.idx.msk [tilespmem:v9+s18+$0x0], $0xffff;
	v29 =	vor.u32 $0x7, v1  }
0xf1: {  	v12 =	vmul.f32 v13, v12;
	v13 =	vld.idx.msk [tilespmem:v14+s16+$0x0], $0xffff;
	v5 =	vadd.f32 v6, v5;
	v6 =	vmul.f32 v46, v57  }
0xf2: {  	v14 =	vld.idx.msk [tilespmem:v14+s18+$0x0], $0xffff;
	v33 =	vor.u32 $0x8, v1  }
0xf3: {  	v31 =	vld.idx.msk [tilespmem:v11+s16+$0x0], $0xffff;
	v5 =	vadd.f32 v6, v5;
	v6 =	vmul.f32 v48, v59  }
0xf4: {  	v4 =	vmul.f32 v4, v7;
	v11 =	vld.idx.msk [tilespmem:v11+s18+$0x0], $0xffff;
	v7 =	vadd.f32 $0.0e+00, v12  }
0xf5: {  	v12 =	vld.idx.msk [tilespmem:v29+s16+$0x0], $0xffff;
	v35 =	vor.u32 $0x9, v1;
	v5 =	vadd.f32 v6, v5;
	v6 =	vmul.f32 v50, v61  }
0xf6: {  	v2 =	vmul.f32 v2, v8;
	v16 =	vld.idx.msk [tilespmem:v29+s18+$0x0], $0xffff;
	v4 =	vadd.f32 v4, v7  }
0xf7: {  	v37 =	vor.u32 $0xA, v1;
	v7 =	vld.idx.msk [tilespmem:v33+s16+$0x0], $0xffff;
	v5 =	vadd.f32 v6, v5;
	v6 =	vmul.f32 v52, v63  }
0xf8: {  	v3 =	vmul.f32 v3, v10;
	v8 =	vld.idx.msk [tilespmem:v33+s18+$0x0], $0xffff  }
0xf9: {  	v2 =	vadd.f32 v2, v4;
	v39 =	vor.u32 $0xB, v1;
	v5 =	vadd.f32 v6, v5;
	v6 =	vld [tilespmem:$0x1FBC0]  }
0xfa: {  	v28 =	vor.u32 $0x11, v1;
	v4 =	vld.idx.msk [tilespmem:v35+s16+$0x0], $0xffff  }
0xfb: {  	v2 =	vadd.f32 v3, v2;
	v3 =	vmul.f32 v9, v15;
	v10 =	vld.idx.msk [tilespmem:v35+s18+$0x0], $0xffff  }
0xfc: {  	v9 =	vld.idx.msk [tilespmem:v37+s16+$0x0], $0xffff  }
0xfd: {  	v2 =	vadd.f32 v3, v2;
	v3 =	vmul.f32 v11, v31;
	v41 =	vor.u32 $0xC, v1;
	v15 =	vld.idx.msk [tilespmem:v37+s18+$0x0], $0xffff  }
0xfe: {  	v11 =	vld.idx.msk [tilespmem:v39+s16+$0x0], $0xffff;
	v6 =	vmul.f32 v54, v6  }
0xff: {  	v24 =	vor.u32 $0xE, v1;
	v2 =	vadd.f32 v3, v2;
	v3 =	vmul.f32 v14, v13;
	v31 =	vld.idx.msk [tilespmem:v28+s18+$0x0], $0xffff  }
0x100: {  	v5 =	vadd.f32 v6, v5;
	v6 =	vld [tilespmem:$0x1FBD0]  }
0x101: {  	v43 =	vor.u32 $0xD, v1;
	v2 =	vadd.f32 v3, v2;
	v3 =	vmul.f32 v16, v12;
	v45 =	vld.idx.msk [tilespmem:v39+s18+$0x0], $0xffff  }
0x102: {  	v13 =	vld.idx.msk [tilespmem:v41+s16+$0x0], $0xffff  }
0x103: {  	v14 =	vld.idx.msk [tilespmem:v41+s18+$0x0], $0xffff;
	v2 =	vadd.f32 v3, v2;
	v3 =	vmul.f32 v8, v7  }
0x104: {  	v25 =	vor.u32 $0xF, v1;
	v30 =	vor.u32 $0x13, v1;
	v7 =	vld.idx.msk [tilespmem:v24+s16+$0x0], $0xffff  }
0x105: {  	v8 =	vld.idx.msk [tilespmem:v24+s18+$0x0], $0xffff;
	v2 =	vadd.f32 v3, v2;
	v3 =	vmul.f32 v10, v4;
	v6 =	vmul.f32 v56, v6  }
0x106: {  	v27 =	vor.u32 $0x10, v1;
	v12 =	vld.idx.msk [tilespmem:v43+s16+$0x0], $0xffff  }
0x107: {  	v2 =	vadd.f32 v3, v2;
	v3 =	vmul.f32 v15, v9;
	v5 =	vadd.f32 v6, v5;
	v6 =	vld [tilespmem:$0x1FBE0]  }
0x108: {  	v26 =	vld.idx.msk [tilespmem:v43+s18+$0x0], $0xffff  }
0x109: {  	v34 =	vld.idx.msk [tilespmem:v30+s18+$0x0], $0xffff;
	v2 =	vadd.f32 v3, v2;
	v3 =	vmul.f32 v45, v11  }
0x10a: {  	v4 =	vld.idx.msk [tilespmem:v25+s16+$0x0], $0xffff  }
0x10b: {  	v10 =	vld.idx.msk [tilespmem:v25+s18+$0x0], $0xffff;
	v2 =	vadd.f32 v3, v2;
	v3 =	vmul.f32 v14, v13  }
0x10c: {  	v29 =	vor.u32 $0x12, v1;
	v9 =	vld.idx.msk [tilespmem:v27+s16+$0x0], $0xffff;
	v6 =	vmul.f32 v58, v6  }
0x10d: {  	v15 =	vld.idx.msk [tilespmem:v27+s18+$0x0], $0xffff;
	v2 =	vadd.f32 v3, v2;
	v3 =	vmul.f32 v26, v12  }
0x10e: {  	v5 =	vadd.f32 v6, v5;
	v6 =	vld [tilespmem:$0x1FBF0]  }
0x10f: {  	v32 =	vor.u32 $0x14, v1;
	v11 =	vld.idx.msk [tilespmem:v28+s16+$0x0], $0xffff;
	v2 =	vadd.f32 v3, v2;
	v3 =	vmul.f32 v8, v7  }
0x110: {  	v42 =	vld [tilespmem:$0x1FC10]  }
0x111: {  	v13 =	vld.idx.msk [tilespmem:v29+s16+$0x0], $0xffff;
	v2 =	vadd.f32 v3, v2;
	v3 =	vmul.f32 v10, v4  }
0x112: {  	v14 =	vld.idx.msk [tilespmem:v29+s18+$0x0], $0xffff  }
0x113: {  	v12 =	vld.idx.msk [tilespmem:v30+s16+$0x0], $0xffff;
	v2 =	vadd.f32 v3, v2;
	v3 =	vmul.f32 v15, v9;
	v6 =	vmul.f32 v60, v6  }
0x114: {  	v33 =	vor.u32 $0x15, v1;
	v7 =	vld.idx.msk [tilespmem:v32+s16+$0x0], $0xffff  }
0x115: {  	v2 =	vadd.f32 v3, v2;
	v3 =	vmul.f32 v31, v11;
	v5 =	vadd.f32 v6, v5;
	v6 =	vld [tilespmem:$0x1FC00]  }
0x116: {  	v8 =	vld.idx.msk [tilespmem:v32+s18+$0x0], $0xffff  }
0x117: {  	v2 =	vadd.f32 v3, v2;
	v3 =	vmul.f32 v14, v13;
	_ =	sdelay $0x1  }
0x118: {  	v2 =	vadd.f32 v3, v2;
	v3 =	vmul.f32 v34, v12  }
0x119: {  	v4 =	vld.idx.msk [tilespmem:v33+s16+$0x0], $0xffff;
	v6 =	vmul.f32 v42, v6  }
0x11a: {  	v2 =	vadd.f32 v3, v2;
	v3 =	vmul.f32 v8, v7;
	v8 =	vld [tilespmem:$0x1FC30]  }
0x11b: {  	v35 =	vor.u32 $0x16, v1;
	v5 =	vadd.f32 v6, v5;
	v6 =	vld [tilespmem:$0x1FC20]  }
0x11c: {  	v10 =	vld.idx.msk [tilespmem:v33+s18+$0x0], $0xffff;
	_ =	sdelay $0x3  }
0x11d: {  	v9 =	vld.idx.msk [tilespmem:v35+s16+$0x0], $0xffff;
	v6 =	vmul.f32 v8, v6  }
0x11e: {  	v2 =	vadd.f32 v3, v2;
	v3 =	vmul.f32 v10, v4;
	v10 =	vld [tilespmem:$0x1FC50]  }
0x11f: {  	v5 =	vadd.f32 v6, v5;
	v6 =	vld [tilespmem:$0x1FC40]  }
0x120: {  	v15 =	vld.idx.msk [tilespmem:v35+s18+$0x0], $0xffff;
	_ =	sdelay $0x3  }
0x121: {  	v36 =	vor.u32 $0x17, v1;
	v6 =	vmul.f32 v10, v6  }
0x122: {  	v2 =	vadd.f32 v3, v2;
	v3 =	vmul.f32 v15, v9;
	v15 =	vld [tilespmem:$0x1FC70]  }
0x123: {  	v5 =	vadd.f32 v6, v5;
	v6 =	vld [tilespmem:$0x1FC60]  }
0x124: {  	v37 =	vor.u32 $0x18, v1;
	_ =	sdelay $0x1  }
0x125: {  	v39 =	vld.idx.msk [tilespmem:v36+s18+$0x0], $0xffff  }
0x126: {  	v48 =	vld [tilespmem:$0x1FC90]  }
0x127: {  	v11 =	vld.idx.msk [tilespmem:v36+s16+$0x0], $0xffff;
	v6 =	vmul.f32 v15, v6  }
0x128: {  	v13 =	vld.idx.msk [tilespmem:v37+s16+$0x0], $0xffff  }
0x129: {  	v5 =	vadd.f32 v6, v5;
	v6 =	vld [tilespmem:$0x1FC80]  }
0x12a: {  	v14 =	vld.idx.msk [tilespmem:v37+s18+$0x0], $0xffff;
	_ =	sdelay $0x2  }
0x12b: {  	v2 =	vadd.f32 v3, v2;
	v3 =	vmul.f32 v39, v11  }
0x12c: {  	v6 =	vmul.f32 v48, v6  }
0x12d: {  	v38 =	vor.u32 $0x19, v1;
	v2 =	vadd.f32 v3, v2;
	v3 =	vmul.f32 v14, v13;
	v14 =	vld [tilespmem:$0x1FCB0]  }
0x12e: {  	v5 =	vadd.f32 v6, v5;
	v6 =	vld [tilespmem:$0x1FCA0]  }
0x12f: {  	v40 =	vor.u32 $0x1A, v1;
	_ =	sdelay $0x1  }
0x130: {  	v51 =	vld [tilespmem:$0x1FCD0]  }
0x131: {  	v43 =	vld.idx.msk [tilespmem:v38+s18+$0x0], $0xffff  }
0x132: {  	v12 =	vld.idx.msk [tilespmem:v38+s16+$0x0], $0xffff;
	v6 =	vmul.f32 v14, v6  }
0x133: {  	v7 =	vld.idx.msk [tilespmem:v40+s16+$0x0], $0xffff  }
0x134: {  	v5 =	vadd.f32 v6, v5;
	v6 =	vld [tilespmem:$0x1FCC0]  }
0x135: {  	v8 =	vld.idx.msk [tilespmem:v40+s18+$0x0], $0xffff;
	_ =	sdelay $0x2  }
0x136: {  	v2 =	vadd.f32 v3, v2;
	v3 =	vmul.f32 v43, v12  }
0x137: {  	v6 =	vmul.f32 v51, v6  }
0x138: {  	v2 =	vadd.f32 v3, v2;
	v3 =	vmul.f32 v8, v7;
	v8 =	vld [tilespmem:$0x1FCF0]  }
0x139: {  	v44 =	vor.u32 $0x1C, v1;
	v5 =	vadd.f32 v6, v5;
	v6 =	vld [tilespmem:$0x1FCE0];
	_ =	sdelay $0x4  }
0x13a: {  	v9 =	vld.idx.msk [tilespmem:v44+s16+$0x0], $0xffff;
	v6 =	vmul.f32 v8, v6  }
0x13b: {  	v54 =	vadd.f32 v3, v2;
	v3 =	vld [tilespmem:$0x1FD00]  }
0x13c: {  	v5 =	vadd.f32 v6, v5;
	v6 =	vld [tilespmem:$0x1FD10]  }
0x13d: {  	v15 =	vld.idx.msk [tilespmem:v44+s18+$0x0], $0xffff;
	_ =	sdelay $0x1  }
0x13e: {  	v41 =	vor.u32 $0x1B, v1;
	_ =	sdelay $0x1  }
0x13f: {  	v45 =	vor.u32 $0x1D, v1;
	v6 =	vmul.f32 v6, v3  }
0x140: {  	v9 =	vmul.f32 v15, v9;
	v15 =	vld [tilespmem:$0x1FD30]  }
0x141: {  	v6 =	vadd.f32 v6, v5;
	v5 =	vld [tilespmem:$0x1FD20]  }
0x142: {  	v46 =	vor.u32 $0x1E, v1;
	v4 =	vld.idx.msk [tilespmem:v41+s16+$0x0], $0xffff  }
0x143: {  	v10 =	vld.idx.msk [tilespmem:v41+s18+$0x0], $0xffff  }
0x144: {  	v49 =	vld.idx.msk [tilespmem:v45+s18+$0x0], $0xffff  }
0x145: {  	v57 =	vld [tilespmem:$0x1FD50]  }
0x146: {  	v11 =	vld.idx.msk [tilespmem:v45+s16+$0x0], $0xffff;
	v15 =	vmul.f32 v15, v5  }
0x147: {  	v13 =	vld.idx.msk [tilespmem:v46+s16+$0x0], $0xffff  }
0x148: {  	v4 =	vmul.f32 v10, v4;
	v6 =	vadd.f32 v15, v6;
	v15 =	vld [tilespmem:$0x1FD40]  }
0x149: {  	v14 =	vld.idx.msk [tilespmem:v46+s18+$0x0], $0xffff  }
0x14a: {  	v19 =	vadd.f32 v4, v54;
	_ =	sdelay $0x1  }
0x14b: {  	v11 =	vmul.f32 v49, v11;
	v9 =	vadd.f32 v9, v19  }
0x14c: {  	v15 =	vmul.f32 v57, v15  }
0x14d: {  	v9 =	vadd.f32 v11, v9;
	v11 =	vmul.f32 v14, v13;
	v14 =	vld [tilespmem:$0x1FD60]  }
0x14e: {  	v47 =	vor.u32 $0x1F, v1;
	v6 =	vadd.f32 v15, v6;
	v15 =	vld [tilespmem:$0x1FD70];
	_ =	sdelay $0x3  }
0x14f: {  	v59 =	vld [tilespmem:$0x1FD90]  }
0x150: {  	v52 =	vld.idx.msk [tilespmem:v47+s18+$0x0], $0xffff;
	v14 =	vmul.f32 v15, v14  }
0x151: {  	v12 =	vld.idx.msk [tilespmem:v47+s16+$0x0], $0xffff  }
0x152: {  	v6 =	vadd.f32 v14, v6;
	v14 =	vld [tilespmem:$0x1FD80];
	_ =	sdelay $0x3  }
0x153: {  	v53 =	vor.u32 $0x21, v1;
	v9 =	vadd.f32 v11, v9;
	v11 =	vmul.f32 v52, v12  }
0x154: {  	v50 =	vor.u32 $0x20, v1;
	v14 =	vmul.f32 v59, v14  }
0x155: {  	v9 =	vadd.f32 v11, v9;
	v11 =	vld [tilespmem:$0x1FDA0]  }
0x156: {  	v6 =	vadd.f32 v14, v6;
	v14 =	vld [tilespmem:$0x1FDB0]  }
0x157: {  	v25 =	vld [tilespmem:$0x1FDD0];
	v10 =	vor.u32 $0x22, v1  }
0x158: {  	v18 =	vld.idx.msk [tilespmem:v53+s18+$0x0], $0xffff  }
0x159: {  	v7 =	vld.idx.msk [tilespmem:v50+s16+$0x0], $0xffff  }
0x15a: {  	v8 =	vld.idx.msk [tilespmem:v50+s18+$0x0], $0xffff  }
0x15b: {  	v56 =	vld.idx.msk [tilespmem:v53+s16+$0x0], $0xffff;
	v11 =	vmul.f32 v14, v11  }
0x15c: {  	v13 =	vld.idx.msk [tilespmem:v10+s16+$0x0], $0xffff  }
0x15d: {  	v6 =	vadd.f32 v11, v6;
	v11 =	vld [tilespmem:$0x1FDC0]  }
0x15e: {  	v10 =	vld.idx.msk [tilespmem:v10+s18+$0x0], $0xffff  }
0x15f: {  	v7 =	vmul.f32 v8, v7;
	_ =	sdelay $0x1  }
0x160: {  	v7 =	vadd.f32 v7, v9;
	v9 =	vmul.f32 v18, v56  }
0x161: {  	v11 =	vmul.f32 v25, v11  }
0x162: {  	v7 =	vadd.f32 v9, v7;
	v9 =	vmul.f32 v10, v13;
	v13 =	vld [tilespmem:$0x1FDF0]  }
0x163: {  	v6 =	vadd.f32 v11, v6;
	v11 =	vld [tilespmem:$0x1FDE0]  }
0x164: {  	v58 =	vor.u32 $0x24, v1;
	_ =	sdelay $0x3  }
0x165: {  	v28 =	vld [tilespmem:$0x1FE10];
	v11 =	vmul.f32 v13, v11  }
0x166: {  	v8 =	vld.idx.msk [tilespmem:v58+s16+$0x0], $0xffff  }
0x167: {  	v6 =	vadd.f32 v11, v6;
	v11 =	vld [tilespmem:$0x1FE00]  }
0x168: {  	v14 =	vld.idx.msk [tilespmem:v58+s18+$0x0], $0xffff;
	_ =	sdelay $0x1  }
0x169: {  	v55 =	vor.u32 $0x23, v1;
	_ =	sdelay $0x1  }
0x16a: {  	v11 =	vmul.f32 v28, v11  }
0x16b: {  	v61 =	vor.u32 $0x26, v1;
	v8 =	vmul.f32 v14, v8;
	v14 =	vld [tilespmem:$0x1FE30]  }
0x16c: {  	v15 =	vor.u32 $0x25, v1;
	v6 =	vadd.f32 v11, v6;
	v11 =	vld [tilespmem:$0x1FE20]  }
0x16d: {  	v60 =	vld.idx.msk [tilespmem:v55+s18+$0x0], $0xffff  }
0x16e: {  	v12 =	vld.idx.msk [tilespmem:v55+s16+$0x0], $0xffff  }
0x16f: {  	v32 =	vld [tilespmem:$0x1FE50]  }
0x170: {  	v10 =	vld.idx.msk [tilespmem:v61+s16+$0x0], $0xffff  }
0x171: {  	v24 =	vld.idx.msk [tilespmem:v15+s16+$0x0], $0xffff;
	v11 =	vmul.f32 v14, v11  }
0x172: {  	v15 =	vld.idx.msk [tilespmem:v15+s18+$0x0], $0xffff  }
0x173: {  	v7 =	vadd.f32 v9, v7;
	v9 =	vmul.f32 v60, v12;
	v6 =	vadd.f32 v11, v6;
	v11 =	vld [tilespmem:$0x1FE40]  }
0x174: {  	v13 =	vld.idx.msk [tilespmem:v61+s18+$0x0], $0xffff  }
0x175: {  	v7 =	vadd.f32 v9, v7;
	_ =	sdelay $0x1  }
0x176: {  	v7 =	vadd.f32 v8, v7;
	v8 =	vmul.f32 v15, v24  }
0x177: {  	v11 =	vmul.f32 v32, v11  }
0x178: {  	v63 =	vor.u32 $0x27, v1;
	v7 =	vadd.f32 v8, v7;
	v8 =	vmul.f32 v13, v10;
	v13 =	vld [tilespmem:$0x1FE70]  }
0x179: {  	v6 =	vadd.f32 v11, v6;
	v11 =	vld [tilespmem:$0x1FE60]  }
0x17a: {  	v26 =	vor.u32 $0x28, v1;
	_ =	sdelay $0x1  }
0x17b: {  	v36 =	vld [tilespmem:$0x1FE90]  }
0x17c: {  	v29 =	vld.idx.msk [tilespmem:v63+s18+$0x0], $0xffff  }
0x17d: {  	v12 =	vld.idx.msk [tilespmem:v63+s16+$0x0], $0xffff;
	v11 =	vmul.f32 v13, v11  }
0x17e: {  	v9 =	vld.idx.msk [tilespmem:v26+s16+$0x0], $0xffff  }
0x17f: {  	v6 =	vadd.f32 v11, v6;
	v11 =	vld [tilespmem:$0x1FE80]  }
0x180: {  	v14 =	vld.idx.msk [tilespmem:v26+s18+$0x0], $0xffff;
	_ =	sdelay $0x2  }
0x181: {  	v7 =	vadd.f32 v8, v7;
	v8 =	vmul.f32 v29, v12  }
0x182: {  	v27 =	vor.u32 $0x29, v1;
	v11 =	vmul.f32 v36, v11  }
0x183: {  	v7 =	vadd.f32 v8, v7;
	v8 =	vmul.f32 v14, v9;
	v14 =	vld [tilespmem:$0x1FEB0]  }
0x184: {  	v6 =	vadd.f32 v11, v6;
	v11 =	vld [tilespmem:$0x1FEA0]  }
0x185: {  	v30 =	vor.u32 $0x2A, v1;
	_ =	sdelay $0x1  }
0x186: {  	v33 =	vld.idx.msk [tilespmem:v27+s18+$0x0], $0xffff  }
0x187: {  	v40 =	vld [tilespmem:$0x1FED0]  }
0x188: {  	v15 =	vld.idx.msk [tilespmem:v27+s16+$0x0], $0xffff;
	v11 =	vmul.f32 v14, v11  }
0x189: {  	v10 =	vld.idx.msk [tilespmem:v30+s16+$0x0], $0xffff  }
0x18a: {  	v6 =	vadd.f32 v11, v6;
	v11 =	vld [tilespmem:$0x1FEC0]  }
0x18b: {  	v13 =	vld.idx.msk [tilespmem:v30+s18+$0x0], $0xffff;
	_ =	sdelay $0x2  }
0x18c: {  	v7 =	vadd.f32 v8, v7;
	v8 =	vmul.f32 v33, v15  }
0x18d: {  	v31 =	vor.u32 $0x2B, v1;
	v11 =	vmul.f32 v40, v11  }
0x18e: {  	v7 =	vadd.f32 v8, v7;
	v8 =	vmul.f32 v13, v10;
	v13 =	vld [tilespmem:$0x1FEF0]  }
0x18f: {  	v6 =	vadd.f32 v11, v6;
	v11 =	vld [tilespmem:$0x1FEE0]  }
0x190: {  	v34 =	vor.u32 $0x2C, v1;
	_ =	sdelay $0x1  }
0x191: {  	v37 =	vld.idx.msk [tilespmem:v31+s18+$0x0], $0xffff  }
0x192: {  	v44 =	vld [tilespmem:$0x1FF10]  }
0x193: {  	v12 =	vld.idx.msk [tilespmem:v31+s16+$0x0], $0xffff;
	v11 =	vmul.f32 v13, v11  }
0x194: {  	v9 =	vld.idx.msk [tilespmem:v34+s16+$0x0], $0xffff  }
0x195: {  	v6 =	vadd.f32 v11, v6;
	v11 =	vld [tilespmem:$0x1FF00]  }
0x196: {  	v14 =	vld.idx.msk [tilespmem:v34+s18+$0x0], $0xffff;
	_ =	sdelay $0x2  }
0x197: {  	v7 =	vadd.f32 v8, v7;
	v8 =	vmul.f32 v37, v12  }
0x198: {  	v11 =	vmul.f32 v44, v11  }
0x199: {  	v35 =	vor.u32 $0x2D, v1;
	v7 =	vadd.f32 v8, v7;
	v8 =	vmul.f32 v14, v9;
	v14 =	vld [tilespmem:$0x1FF30]  }
0x19a: {  	v6 =	vadd.f32 v11, v6;
	v11 =	vld [tilespmem:$0x1FF20]  }
0x19b: {  	v38 =	vor.u32 $0x2E, v1;
	_ =	sdelay $0x2  }
0x19c: {  	v41 =	vld.idx.msk [tilespmem:v35+s18+$0x0], $0xffff  }
0x19d: {  	v15 =	vld.idx.msk [tilespmem:v35+s16+$0x0], $0xffff;
	v11 =	vmul.f32 v14, v11  }
0x19e: {  	v10 =	vld.idx.msk [tilespmem:v38+s16+$0x0], $0xffff  }
0x19f: {  	v6 =	vadd.f32 v11, v6;
	v11 =	vld [tilespmem:$0x1FF40]  }
0x1a0: {  	v13 =	vld.idx.msk [tilespmem:v38+s18+$0x0], $0xffff;
	_ =	sdelay $0x2  }
0x1a1: {  	v7 =	vadd.f32 v8, v7;
	v8 =	vmul.f32 v41, v15  }
0x1a2: {  	v39 =	vor.u32 $0x2F, v1;
	v11 =	vmul.f32 v62, v11  }
0x1a3: {  	v7 =	vadd.f32 v8, v7;
	v8 =	vmul.f32 v13, v10;
	v13 =	vld [tilespmem:$0x1FF60]  }
0x1a4: {  	v6 =	vadd.f32 v11, v6;
	v11 =	vld [tilespmem:$0x1FF50]  }
0x1a5: {  	v42 =	vor.u32 $0x30, v1;
	_ =	sdelay $0x1  }
0x1a6: {  	v45 =	vld.idx.msk [tilespmem:v39+s18+$0x0], $0xffff  }
0x1a7: {  	v51 =	vld [tilespmem:$0x1FF80]  }
0x1a8: {  	v12 =	vld.idx.msk [tilespmem:v39+s16+$0x0], $0xffff;
	v11 =	vmul.f32 v13, v11  }
0x1a9: {  	v9 =	vld.idx.msk [tilespmem:v42+s16+$0x0], $0xffff  }
0x1aa: {  	v6 =	vadd.f32 v11, v6;
	v11 =	vld [tilespmem:$0x1FF70]  }
0x1ab: {  	v14 =	vld.idx.msk [tilespmem:v42+s18+$0x0], $0xffff;
	_ =	sdelay $0x2  }
0x1ac: {  	v7 =	vadd.f32 v8, v7;
	v8 =	vmul.f32 v45, v12  }
0x1ad: {  	v43 =	vor.u32 $0x31, v1;
	v11 =	vmul.f32 v51, v11  }
0x1ae: {  	v7 =	vadd.f32 v8, v7;
	v8 =	vmul.f32 v14, v9;
	v14 =	vld [tilespmem:$0x1FFA0]  }
0x1af: {  	v6 =	vadd.f32 v11, v6;
	v11 =	vld [tilespmem:$0x1FF90]  }
0x1b0: {  	v46 =	vor.u32 $0x32, v1;
	_ =	sdelay $0x1  }
0x1b1: {  	v48 =	vld.idx.msk [tilespmem:v43+s18+$0x0], $0xffff  }
0x1b2: {  	v55 =	vld [tilespmem:$0x1FFC0]  }
0x1b3: {  	v15 =	vld.idx.msk [tilespmem:v43+s16+$0x0], $0xffff;
	v11 =	vmul.f32 v14, v11  }
0x1b4: {  	v10 =	vld.idx.msk [tilespmem:v46+s16+$0x0], $0xffff  }
0x1b5: {  	v6 =	vadd.f32 v11, v6;
	v11 =	vld [tilespmem:$0x1FFB0]  }
0x1b6: {  	v13 =	vld.idx.msk [tilespmem:v46+s18+$0x0], $0xffff;
	_ =	sdelay $0x1  }
0x1b7: {  	v47 =	vor.u32 $0x33, v1  }
0x1b8: {  	v2 =	vld [tilespmem:s28+$0x0];
	v7 =	vadd.f32 v8, v7;
	v8 =	vmul.f32 v48, v15  }
0x1b9: {  	v4 =	vld [tilespmem:s2+$0x0];
	v50 =	vor.u32 $0x35, v1;
	v11 =	vmul.f32 v55, v11  }
0x1ba: {  	v7 =	vadd.f32 v8, v7;
	v8 =	vmul.f32 v13, v10;
	v13 =	vld [tilespmem:$0x1FFE0]  }
0x1bb: {  	v6 =	vadd.f32 v11, v6;
	v11 =	vld [tilespmem:$0x1FFD0]  }
0x1bc: {  	v49 =	vor.u32 $0x34, v1;
	v52 =	vld.idx.msk [tilespmem:v47+s18+$0x0], $0xffff  }
0x1bd: {  	v3 =	vld [tilespmem:s29+$0x0]  }
0x1be: {  	v56 =	vld.idx.msk [tilespmem:v50+s18+$0x0], $0xffff  }
0x1bf: {  	v54 =	vor.u32 $0x37, v1;
	v5 =	vld [tilespmem:s30+$0x0]  }
0x1c0: {  	v12 =	vld.idx.msk [tilespmem:v47+s16+$0x0], $0xffff;
	v11 =	vmul.f32 v13, v11  }
0x1c1: {  	v53 =	vor.u32 $0x36, v1;
	v9 =	vld.idx.msk [tilespmem:v49+s16+$0x0], $0xffff  }
0x1c2: {  	v6 =	vadd.f32 v11, v6;
	v11 =	vld [tilespmem:$0x1FFF0]  }
0x1c3: {  	v58 =	vor.u32 $0x39, v1;
	v14 =	vld.idx.msk [tilespmem:v49+s18+$0x0], $0xffff  }
0x1c4: {  	v59 =	vld.idx.msk [tilespmem:v54+s18+$0x0], $0xffff  }
0x1c5: {  	v57 =	vor.u32 $0x38, v1;
	v15 =	vld.idx.msk [tilespmem:v50+s16+$0x0], $0xffff  }
0x1c6: {  	v10 =	vld.idx.msk [tilespmem:v53+s16+$0x0], $0xffff;
	v7 =	vadd.f32 v8, v7;
	v8 =	vmul.f32 v52, v12  }
0x1c7: {  	v13 =	vld.idx.msk [tilespmem:v53+s18+$0x0], $0xffff;
	v11 =	vmul.f32 v21, v11  }
0x1c8: {  	v60 =	vor.u32 $0x3A, v1;
	v61 =	vld.idx.msk [tilespmem:v58+s18+$0x0], $0xffff;
	v7 =	vadd.f32 v8, v7;
	v8 =	vmul.f32 v14, v9  }
0x1c9: {  	v12 =	vld.idx.msk [tilespmem:v54+s16+$0x0], $0xffff;
	v6 =	vadd.f32 v11, v6  }
0x1ca: {  	v9 =	vld.idx.msk [tilespmem:v57+s16+$0x0], $0xffff;
	v14 =	vor.u32 $0x3B, v1;
	v7 =	vadd.f32 v8, v7;
	v8 =	vmul.f32 v56, v15  }
0x1cb: {  	v11 =	vld.idx.msk [tilespmem:v57+s18+$0x0], $0xffff;
	v5 =	vadd.f32 v6, v5  }
0x1cc: {  	v62 =	vor.u32 $0x3C, v1;
	v15 =	vld.idx.msk [tilespmem:v58+s16+$0x0], $0xffff;
	v6 =	vadd.f32 v8, v7;
	v7 =	vmul.f32 v13, v10  }
0x1cd: {  	v8 =	vld.idx.msk [tilespmem:v60+s16+$0x0], $0xffff;
	v4 =	vadd.f32 v5, v4  }
0x1ce: {  	v63 =	vor.u32 $0x3D, v1;
	v10 =	vld.idx.msk [tilespmem:v60+s18+$0x0], $0xffff;
	v5 =	vadd.f32 v7, v6;
	v6 =	vmul.f32 v59, v12  }
0x1cf: {  	v12 =	vld.idx.msk [tilespmem:v14+s16+$0x0], $0xffff;
	v3 =	vsub.f32 v4, v3  }
0x1d0: {  	v7 =	vmul.f32 v11, v9;
	v4 =	vld.idx.msk [tilespmem:v14+s18+$0x0], $0xffff;
	v14 =	vor.u32 $0x3E, v1;
	v5 =	vadd.f32 v6, v5  }
0x1d1: {  	v9 =	vld.idx.msk [tilespmem:v62+s18+$0x0], $0xffff;
	v2 =	vmul.f32 v3, v2  }
0x1d2: {  	v13 =	vor.u32 $0x3F, v1;
	v11 =	vmul.f32 v61, v15;
	v6 =	vld.idx.msk [tilespmem:v62+s16+$0x0], $0xffff;
	v1 =	vadd.f32 v7, v5  }
0x1d3: {  	v5 =	vld.idx.msk [tilespmem:v63+s16+$0x0], $0xffff;
	v2 =	vmul.f32 v2, v3  }
0x1d4: {  	v15 =	vimm.f32 $0.0e+00;
	v10 =	vmul.f32 v10, v8;
	v7 =	vld.idx.msk [tilespmem:v63+s18+$0x0], $0xffff;
	v11 =	vadd.f32 v11, v1  }
0x1d5: {  	s19 =	simm.s32 $0x20;
	v3 =	vld.idx.msk [tilespmem:v14+s16+$0x0], $0xffff;
	v1 =	vadd.f32 v2, v15  }
0x1d6: {  	v8 =	vld.idx.msk [tilespmem:v14+s18+$0x0], $0xffff;
	v2 =	vmov s19;
	v10 =	vadd.f32 v10, v11;
	v11 =	vmul.f32 v4, v12  }
0x1d7: {  	s19 =	simm.s32 $0x30;
	v4 =	vld.idx.msk [tilespmem:v13+s16+$0x0], $0xffff;
	v2 =	vshll.u32 v2, $0x6  }
.LBB2_2:
0x1d8: {  	p0 =	sne.s32 s19, $0x1F0;
	v2 =	vor.u32 v0, v2;
	v10 =	vadd.f32 v11, v10;
	v6 =	vmul.f32 v9, v6;
	v9 =	vld.idx.msk [tilespmem:v13+s18+$0x0], $0xffff;
	s28 =	sadd.s32 $0x10, s28  }
0x1d9: {  	s29 =	sadd.s32 $0x10, s29;
	v11 =	vld [tilespmem:s28+$0x0]  }
0x1da: {  	s2 =	sadd.s32 $0x10, s2;
	v12 =	vor.u32 $0x1, v2;
	v5 =	vmul.f32 v7, v5;
	v6 =	vadd.f32 v6, v10;
	v7 =	vld [tilespmem:s29+$0x0]  }
0x1db: {  	s30 =	sadd.s32 $0x10, s30;
	v10 =	vld [tilespmem:s2+$0x0]  }
0x1dc: {  	v13 =	vor.u32 $0x2, v2;
	v3 =	vmul.f32 v8, v3;
	v5 =	vadd.f32 v5, v6;
	v6 =	vld [tilespmem:s30+$0x0]  }
0x1dd: {  	v8 =	vld.idx.msk [tilespmem:v2+s16+$0x0], $0xffff  }
0x1de: {  	v15 =	vor.u32 $0x3, v2;
	v4 =	vmul.f32 v9, v4;
	v14 =	vld.idx.msk [tilespmem:v2+s18+$0x0], $0xffff;
	v3 =	vadd.f32 v3, v5  }
0x1df: {  	v5 =	vld.idx.msk [tilespmem:v12+s16+$0x0], $0xffff  }
0x1e0: {  	v9 =	vld.idx.msk [tilespmem:v12+s18+$0x0], $0xffff;
	v12 =	vor.u32 $0x4, v2;
	v3 =	vadd.f32 v4, v3  }
0x1e1: {  	v4 =	vld.idx.msk [tilespmem:v13+s16+$0x0], $0xffff  }
0x1e2: {  	v16 =	vor.u32 $0x5, v2;
	v13 =	vld.idx.msk [tilespmem:v13+s18+$0x0], $0xffff;
	v3 =	vadd.f32 v3, v6  }
0x1e3: {  	v6 =	vld.idx.msk [tilespmem:v15+s16+$0x0], $0xffff  }
0x1e4: {  	v8 =	vmul.f32 v14, v8;
	v14 =	vld.idx.msk [tilespmem:v15+s18+$0x0], $0xffff;
	v15 =	vor.u32 $0x6, v2;
	v3 =	vadd.f32 v3, v10  }
0x1e5: {  	v17 =	vor.u32 $0x7, v2;
	v10 =	vld.idx.msk [tilespmem:v12+s16+$0x0], $0xffff  }
0x1e6: {  	v8 =	vadd.f32 $0.0e+00, v8;
	v5 =	vmul.f32 v9, v5;
	v9 =	vld.idx.msk [tilespmem:v12+s18+$0x0], $0xffff;
	v3 =	vsub.f32 v3, v7  }
0x1e7: {  	v12 =	vor.u32 $0x8, v2;
	v7 =	vld.idx.msk [tilespmem:v16+s16+$0x0], $0xffff  }
0x1e8: {  	v5 =	vadd.f32 v5, v8;
	v4 =	vmul.f32 v13, v4;
	v8 =	vld.idx.msk [tilespmem:v16+s18+$0x0], $0xffff;
	v11 =	vmul.f32 v3, v11  }
0x1e9: {  	v16 =	vor.u32 $0x9, v2;
	v13 =	vld.idx.msk [tilespmem:v15+s16+$0x0], $0xffff  }
0x1ea: {  	v4 =	vadd.f32 v4, v5;
	v5 =	vmul.f32 v14, v6;
	v6 =	vld.idx.msk [tilespmem:v15+s18+$0x0], $0xffff;
	v3 =	vmul.f32 v11, v3  }
0x1eb: {  	v14 =	vor.u32 $0xA, v2;
	v11 =	vld.idx.msk [tilespmem:v17+s16+$0x0], $0xffff  }
0x1ec: {  	v4 =	vadd.f32 v5, v4;
	v5 =	vmul.f32 v9, v10;
	v9 =	vld.idx.msk [tilespmem:v17+s18+$0x0], $0xffff;
	v1 =	vadd.f32 v3, v1  }
0x1ed: {  	v3 =	vld.idx.msk [tilespmem:v12+s16+$0x0], $0xffff  }
0x1ee: {  	v4 =	vadd.f32 v5, v4;
	v5 =	vmul.f32 v8, v7;
	v8 =	vor.u32 $0xB, v2;
	v7 =	vld.idx.msk [tilespmem:v12+s18+$0x0], $0xffff  }
0x1ef: {  	v10 =	vld.idx.msk [tilespmem:v16+s16+$0x0], $0xffff  }
0x1f0: {  	v12 =	vor.u32 $0xC, v2;
	v4 =	vadd.f32 v5, v4;
	v5 =	vmul.f32 v6, v13;
	v6 =	vld.idx.msk [tilespmem:v16+s18+$0x0], $0xffff  }
0x1f1: {  	v13 =	vld.idx.msk [tilespmem:v14+s16+$0x0], $0xffff  }
0x1f2: {  	v4 =	vadd.f32 v5, v4;
	v5 =	vmul.f32 v9, v11;
	v11 =	vor.u32 $0xD, v2;
	v9 =	vld.idx.msk [tilespmem:v14+s18+$0x0], $0xffff  }
0x1f3: {  	v14 =	vld.idx.msk [tilespmem:v8+s16+$0x0], $0xffff  }
0x1f4: {  	v4 =	vadd.f32 v5, v4;
	v3 =	vmul.f32 v7, v3;
	v7 =	vor.u32 $0xE, v2;
	v5 =	vld.idx.msk [tilespmem:v8+s18+$0x0], $0xffff  }
0x1f5: {  	v8 =	vld.idx.msk [tilespmem:v12+s16+$0x0], $0xffff  }
0x1f6: {  	v3 =	vadd.f32 v3, v4;
	v4 =	vmul.f32 v6, v10;
	v10 =	vor.u32 $0xF, v2;
	v6 =	vld.idx.msk [tilespmem:v12+s18+$0x0], $0xffff  }
0x1f7: {  	v12 =	vld.idx.msk [tilespmem:v11+s16+$0x0], $0xffff  }
0x1f8: {  	v3 =	vadd.f32 v4, v3;
	v4 =	vmul.f32 v9, v13;
	v9 =	vld.idx.msk [tilespmem:v11+s18+$0x0], $0xffff;
	v11 =	vor.u32 $0x10, v2  }
0x1f9: {  	v13 =	vld.idx.msk [tilespmem:v7+s16+$0x0], $0xffff  }
0x1fa: {  	v3 =	vadd.f32 v4, v3;
	v4 =	vmul.f32 v5, v14;
	v5 =	vld.idx.msk [tilespmem:v7+s18+$0x0], $0xffff;
	v7 =	vor.u32 $0x11, v2  }
0x1fb: {  	v14 =	vld.idx.msk [tilespmem:v10+s16+$0x0], $0xffff  }
0x1fc: {  	v3 =	vadd.f32 v4, v3;
	v4 =	vmul.f32 v6, v8;
	v8 =	vor.u32 $0x12, v2;
	v6 =	vld.idx.msk [tilespmem:v10+s18+$0x0], $0xffff  }
0x1fd: {  	v10 =	vld.idx.msk [tilespmem:v11+s16+$0x0], $0xffff  }
0x1fe: {  	v3 =	vadd.f32 v4, v3;
	v4 =	vmul.f32 v9, v12;
	v9 =	vld.idx.msk [tilespmem:v11+s18+$0x0], $0xffff;
	v11 =	vor.u32 $0x13, v2  }
0x1ff: {  	v12 =	vld.idx.msk [tilespmem:v7+s16+$0x0], $0xffff  }
0x200: {  	v3 =	vadd.f32 v4, v3;
	v4 =	vmul.f32 v5, v13;
	v5 =	vld.idx.msk [tilespmem:v7+s18+$0x0], $0xffff;
	v7 =	vor.u32 $0x14, v2  }
0x201: {  	v13 =	vld.idx.msk [tilespmem:v8+s16+$0x0], $0xffff  }
0x202: {  	v3 =	vadd.f32 v4, v3;
	v4 =	vmul.f32 v6, v14;
	v6 =	vld.idx.msk [tilespmem:v8+s18+$0x0], $0xffff;
	v8 =	vor.u32 $0x15, v2  }
0x203: {  	v14 =	vld.idx.msk [tilespmem:v11+s16+$0x0], $0xffff  }
0x204: {  	v3 =	vadd.f32 v4, v3;
	v4 =	vmul.f32 v9, v10;
	v10 =	vor.u32 $0x16, v2;
	v9 =	vld.idx.msk [tilespmem:v11+s18+$0x0], $0xffff  }
0x205: {  	v11 =	vld.idx.msk [tilespmem:v7+s16+$0x0], $0xffff  }
0x206: {  	v3 =	vadd.f32 v4, v3;
	v4 =	vmul.f32 v5, v12;
	v5 =	vld.idx.msk [tilespmem:v7+s18+$0x0], $0xffff;
	v7 =	vor.u32 $0x17, v2  }
0x207: {  	v12 =	vld.idx.msk [tilespmem:v8+s16+$0x0], $0xffff  }
0x208: {  	v3 =	vadd.f32 v4, v3;
	v4 =	vmul.f32 v6, v13;
	v6 =	vld.idx.msk [tilespmem:v8+s18+$0x0], $0xffff;
	v8 =	vor.u32 $0x18, v2  }
0x209: {  	v13 =	vld.idx.msk [tilespmem:v10+s16+$0x0], $0xffff  }
0x20a: {  	v3 =	vadd.f32 v4, v3;
	v4 =	vmul.f32 v9, v14;
	v9 =	vld.idx.msk [tilespmem:v10+s18+$0x0], $0xffff;
	v10 =	vor.u32 $0x19, v2  }
0x20b: {  	v14 =	vld.idx.msk [tilespmem:v7+s16+$0x0], $0xffff  }
0x20c: {  	v3 =	vadd.f32 v4, v3;
	v4 =	vmul.f32 v5, v11;
	v5 =	vld.idx.msk [tilespmem:v7+s18+$0x0], $0xffff;
	v7 =	vor.u32 $0x1A, v2  }
0x20d: {  	v11 =	vld.idx.msk [tilespmem:v8+s16+$0x0], $0xffff  }
0x20e: {  	v3 =	vadd.f32 v4, v3;
	v4 =	vmul.f32 v6, v12;
	v6 =	vld.idx.msk [tilespmem:v8+s18+$0x0], $0xffff;
	v8 =	vor.u32 $0x1B, v2  }
0x20f: {  	v12 =	vld.idx.msk [tilespmem:v10+s16+$0x0], $0xffff  }
0x210: {  	v3 =	vadd.f32 v4, v3;
	v4 =	vmul.f32 v9, v13;
	v9 =	vld.idx.msk [tilespmem:v10+s18+$0x0], $0xffff;
	v10 =	vor.u32 $0x1C, v2  }
0x211: {  	v13 =	vld.idx.msk [tilespmem:v7+s16+$0x0], $0xffff  }
0x212: {  	v3 =	vadd.f32 v4, v3;
	v4 =	vmul.f32 v5, v14;
	v5 =	vld.idx.msk [tilespmem:v7+s18+$0x0], $0xffff;
	v7 =	vor.u32 $0x1D, v2  }
0x213: {  	v14 =	vld.idx.msk [tilespmem:v8+s16+$0x0], $0xffff  }
0x214: {  	v3 =	vadd.f32 v4, v3;
	v4 =	vmul.f32 v6, v11;
	v6 =	vld.idx.msk [tilespmem:v8+s18+$0x0], $0xffff;
	v8 =	vor.u32 $0x1E, v2  }
0x215: {  	v11 =	vld.idx.msk [tilespmem:v10+s16+$0x0], $0xffff  }
0x216: {  	v3 =	vadd.f32 v4, v3;
	v4 =	vmul.f32 v9, v12;
	v9 =	vld.idx.msk [tilespmem:v10+s18+$0x0], $0xffff;
	v10 =	vor.u32 $0x1F, v2  }
0x217: {  	v12 =	vld.idx.msk [tilespmem:v7+s16+$0x0], $0xffff  }
0x218: {  	v3 =	vadd.f32 v4, v3;
	v4 =	vmul.f32 v5, v13;
	v5 =	vld.idx.msk [tilespmem:v7+s18+$0x0], $0xffff;
	v7 =	vor.u32 $0x20, v2  }
0x219: {  	v13 =	vld.idx.msk [tilespmem:v8+s16+$0x0], $0xffff  }
0x21a: {  	v3 =	vadd.f32 v4, v3;
	v4 =	vmul.f32 v6, v14;
	v6 =	vld.idx.msk [tilespmem:v8+s18+$0x0], $0xffff;
	v8 =	vor.u32 $0x21, v2  }
0x21b: {  	v14 =	vld.idx.msk [tilespmem:v10+s16+$0x0], $0xffff  }
0x21c: {  	v3 =	vadd.f32 v4, v3;
	v4 =	vmul.f32 v9, v11;
	v9 =	vld.idx.msk [tilespmem:v10+s18+$0x0], $0xffff;
	v10 =	vor.u32 $0x22, v2  }
0x21d: {  	v11 =	vld.idx.msk [tilespmem:v7+s16+$0x0], $0xffff  }
0x21e: {  	v3 =	vadd.f32 v4, v3;
	v4 =	vmul.f32 v5, v12;
	v5 =	vld.idx.msk [tilespmem:v7+s18+$0x0], $0xffff;
	v7 =	vor.u32 $0x23, v2  }
0x21f: {  	v12 =	vld.idx.msk [tilespmem:v8+s16+$0x0], $0xffff  }
0x220: {  	v3 =	vadd.f32 v4, v3;
	v4 =	vmul.f32 v6, v13;
	v6 =	vld.idx.msk [tilespmem:v8+s18+$0x0], $0xffff;
	v8 =	vor.u32 $0x24, v2  }
0x221: {  	v13 =	vld.idx.msk [tilespmem:v10+s16+$0x0], $0xffff  }
0x222: {  	v3 =	vadd.f32 v4, v3;
	v4 =	vmul.f32 v9, v14;
	v9 =	vld.idx.msk [tilespmem:v10+s18+$0x0], $0xffff;
	v10 =	vor.u32 $0x25, v2  }
0x223: {  	v14 =	vld.idx.msk [tilespmem:v7+s16+$0x0], $0xffff  }
0x224: {  	v3 =	vadd.f32 v4, v3;
	v4 =	vmul.f32 v5, v11;
	v5 =	vld.idx.msk [tilespmem:v7+s18+$0x0], $0xffff;
	v7 =	vor.u32 $0x26, v2  }
0x225: {  	v11 =	vld.idx.msk [tilespmem:v8+s16+$0x0], $0xffff  }
0x226: {  	v3 =	vadd.f32 v4, v3;
	v4 =	vmul.f32 v6, v12;
	v6 =	vld.idx.msk [tilespmem:v8+s18+$0x0], $0xffff;
	v8 =	vor.u32 $0x27, v2  }
0x227: {  	v12 =	vld.idx.msk [tilespmem:v10+s16+$0x0], $0xffff  }
0x228: {  	v3 =	vadd.f32 v4, v3;
	v4 =	vmul.f32 v9, v13;
	v9 =	vld.idx.msk [tilespmem:v10+s18+$0x0], $0xffff;
	v10 =	vor.u32 $0x28, v2  }
0x229: {  	v13 =	vld.idx.msk [tilespmem:v7+s16+$0x0], $0xffff  }
0x22a: {  	v3 =	vadd.f32 v4, v3;
	v4 =	vmul.f32 v5, v14;
	v5 =	vld.idx.msk [tilespmem:v7+s18+$0x0], $0xffff;
	v7 =	vor.u32 $0x29, v2  }
0x22b: {  	v14 =	vld.idx.msk [tilespmem:v8+s16+$0x0], $0xffff  }
0x22c: {  	v3 =	vadd.f32 v4, v3;
	v4 =	vmul.f32 v6, v11;
	v6 =	vld.idx.msk [tilespmem:v8+s18+$0x0], $0xffff;
	v8 =	vor.u32 $0x2A, v2  }
0x22d: {  	v11 =	vld.idx.msk [tilespmem:v10+s16+$0x0], $0xffff  }
0x22e: {  	v3 =	vadd.f32 v4, v3;
	v4 =	vmul.f32 v9, v12;
	v9 =	vld.idx.msk [tilespmem:v10+s18+$0x0], $0xffff;
	v10 =	vor.u32 $0x2B, v2  }
0x22f: {  	v12 =	vld.idx.msk [tilespmem:v7+s16+$0x0], $0xffff  }
0x230: {  	v3 =	vadd.f32 v4, v3;
	v4 =	vmul.f32 v5, v13;
	v5 =	vld.idx.msk [tilespmem:v7+s18+$0x0], $0xffff;
	v7 =	vor.u32 $0x2C, v2  }
0x231: {  	v13 =	vld.idx.msk [tilespmem:v8+s16+$0x0], $0xffff  }
0x232: {  	v3 =	vadd.f32 v4, v3;
	v4 =	vmul.f32 v6, v14;
	v6 =	vld.idx.msk [tilespmem:v8+s18+$0x0], $0xffff;
	v8 =	vor.u32 $0x2D, v2  }
0x233: {  	v14 =	vld.idx.msk [tilespmem:v10+s16+$0x0], $0xffff  }
0x234: {  	v3 =	vadd.f32 v4, v3;
	v4 =	vmul.f32 v9, v11;
	v9 =	vld.idx.msk [tilespmem:v10+s18+$0x0], $0xffff;
	v10 =	vor.u32 $0x2E, v2  }
0x235: {  	v11 =	vld.idx.msk [tilespmem:v7+s16+$0x0], $0xffff  }
0x236: {  	v3 =	vadd.f32 v4, v3;
	v4 =	vmul.f32 v5, v12;
	v5 =	vld.idx.msk [tilespmem:v7+s18+$0x0], $0xffff;
	v7 =	vor.u32 $0x2F, v2  }
0x237: {  	v12 =	vld.idx.msk [tilespmem:v8+s16+$0x0], $0xffff  }
0x238: {  	v3 =	vadd.f32 v4, v3;
	v4 =	vmul.f32 v6, v13;
	v6 =	vld.idx.msk [tilespmem:v8+s18+$0x0], $0xffff;
	v8 =	vor.u32 $0x30, v2  }
0x239: {  	v13 =	vld.idx.msk [tilespmem:v10+s16+$0x0], $0xffff  }
0x23a: {  	v3 =	vadd.f32 v4, v3;
	v4 =	vmul.f32 v9, v14;
	v9 =	vld.idx.msk [tilespmem:v10+s18+$0x0], $0xffff;
	v10 =	vor.u32 $0x31, v2  }
0x23b: {  	v14 =	vld.idx.msk [tilespmem:v7+s16+$0x0], $0xffff  }
0x23c: {  	v3 =	vadd.f32 v4, v3;
	v4 =	vmul.f32 v5, v11;
	v5 =	vld.idx.msk [tilespmem:v7+s18+$0x0], $0xffff;
	v7 =	vor.u32 $0x32, v2  }
0x23d: {  	v11 =	vld.idx.msk [tilespmem:v8+s16+$0x0], $0xffff  }
0x23e: {  	v3 =	vadd.f32 v4, v3;
	v4 =	vmul.f32 v6, v12;
	v6 =	vld.idx.msk [tilespmem:v8+s18+$0x0], $0xffff;
	v8 =	vor.u32 $0x33, v2  }
0x23f: {  	v12 =	vld.idx.msk [tilespmem:v10+s16+$0x0], $0xffff  }
0x240: {  	v3 =	vadd.f32 v4, v3;
	v4 =	vmul.f32 v9, v13;
	v9 =	vld.idx.msk [tilespmem:v10+s18+$0x0], $0xffff;
	v10 =	vor.u32 $0x34, v2  }
0x241: {  	v13 =	vld.idx.msk [tilespmem:v7+s16+$0x0], $0xffff  }
0x242: {  	v3 =	vadd.f32 v4, v3;
	v4 =	vmul.f32 v5, v14;
	v5 =	vld.idx.msk [tilespmem:v7+s18+$0x0], $0xffff;
	v7 =	vor.u32 $0x35, v2  }
0x243: {  	v14 =	vld.idx.msk [tilespmem:v8+s16+$0x0], $0xffff  }
0x244: {  	v3 =	vadd.f32 v4, v3;
	v4 =	vmul.f32 v6, v11;
	v6 =	vld.idx.msk [tilespmem:v8+s18+$0x0], $0xffff;
	v8 =	vor.u32 $0x36, v2  }
0x245: {  	v11 =	vld.idx.msk [tilespmem:v10+s16+$0x0], $0xffff  }
0x246: {  	v3 =	vadd.f32 v4, v3;
	v4 =	vmul.f32 v9, v12;
	v9 =	vld.idx.msk [tilespmem:v10+s18+$0x0], $0xffff;
	v10 =	vor.u32 $0x37, v2  }
0x247: {  	v12 =	vld.idx.msk [tilespmem:v7+s16+$0x0], $0xffff  }
0x248: {  	v3 =	vadd.f32 v4, v3;
	v4 =	vmul.f32 v5, v13;
	v5 =	vld.idx.msk [tilespmem:v7+s18+$0x0], $0xffff;
	v7 =	vor.u32 $0x38, v2  }
0x249: {  	v13 =	vld.idx.msk [tilespmem:v8+s16+$0x0], $0xffff  }
0x24a: {  	v3 =	vadd.f32 v4, v3;
	v4 =	vmul.f32 v6, v14;
	v6 =	vld.idx.msk [tilespmem:v8+s18+$0x0], $0xffff;
	v8 =	vor.u32 $0x39, v2  }
0x24b: {  	v14 =	vld.idx.msk [tilespmem:v10+s16+$0x0], $0xffff  }
0x24c: {  	v3 =	vadd.f32 v4, v3;
	v4 =	vmul.f32 v9, v11;
	v9 =	vld.idx.msk [tilespmem:v10+s18+$0x0], $0xffff;
	v10 =	vor.u32 $0x3A, v2  }
0x24d: {  	v11 =	vld.idx.msk [tilespmem:v7+s16+$0x0], $0xffff  }
0x24e: {  	v3 =	vadd.f32 v4, v3;
	v4 =	vmul.f32 v5, v12;
	v5 =	vld.idx.msk [tilespmem:v7+s18+$0x0], $0xffff;
	v7 =	vor.u32 $0x3B, v2  }
0x24f: {  	v12 =	vld.idx.msk [tilespmem:v8+s16+$0x0], $0xffff  }
0x250: {  	v3 =	vadd.f32 v4, v3;
	v4 =	vmul.f32 v6, v13;
	v13 =	vor.u32 $0x3C, v2;
	v8 =	vld.idx.msk [tilespmem:v8+s18+$0x0], $0xffff  }
0x251: {  	v15 =	vld.idx.msk [tilespmem:v10+s16+$0x0], $0xffff  }
0x252: {  	v3 =	vadd.f32 v4, v3;
	v4 =	vmul.f32 v9, v14;
	v14 =	vor.u32 $0x3D, v2;
	v10 =	vld.idx.msk [tilespmem:v10+s18+$0x0], $0xffff  }
0x253: {  	v16 =	vld.idx.msk [tilespmem:v7+s16+$0x0], $0xffff  }
0x254: {  	v17 =	vor.u32 $0x3E, v2;
	v3 =	vadd.f32 v4, v3;
	v4 =	vmul.f32 v5, v11;
	v11 =	vld.idx.msk [tilespmem:v7+s18+$0x0], $0xffff  }
0x255: {  	v6 =	vld.idx.msk [tilespmem:v13+s16+$0x0], $0xffff  }
0x256: {  	v3 =	vadd.f32 v4, v3;
	v4 =	vmul.f32 v8, v12;
	v9 =	vld.idx.msk [tilespmem:v13+s18+$0x0], $0xffff;
	v13 =	vor.u32 $0x3F, v2  }
.Ltmp0:
0x257: {  	v5 =	vld.idx.msk [tilespmem:v14+s16+$0x0], $0xffff;
	(pc) =	sbr.rel @p0 .LBB2_2-.Ltmp0, $4  }
0x258: {  	v2 =	vadd.f32 v4, v3;
	v4 =	vmul.f32 v10, v15;
	v7 =	vld.idx.msk [tilespmem:v14+s18+$0x0], $0xffff  }
0x259: {  	v3 =	vld.idx.msk [tilespmem:v17+s16+$0x0], $0xffff  }
0x25a: {  	v12 =	vmov s19;
	v10 =	vadd.f32 v4, v2;
	v11 =	vmul.f32 v11, v16;
	v8 =	vld.idx.msk [tilespmem:v17+s18+$0x0], $0xffff  }
0x25b: {  	s19 =	sadd.s32 $0x10, s19;
	v2 =	vshll.u32 v12, $0x6;
	v4 =	vld.idx.msk [tilespmem:v13+s16+$0x0], $0xffff  }
0x25c: {  	v12 =	vor.u32 v0, v2;
	_ =	sdelay $0x1  }
0x25d: {  	v14 =	vor.u32 $0x1, v12;
	_ =	sdelay $0x1  }
0x25e: {  	v2 =	vld.idx.msk [tilespmem:v13+s18+$0x0], $0xffff;
	v36 =	vor.u32 $0x2, v12  }
0x25f: {  	v15 =	vld.idx.msk [tilespmem:v12+s16+$0x0], $0xffff  }
0x260: {  	v17 =	vor.u32 $0x3, v12;
	v16 =	vld.idx.msk [tilespmem:v12+s18+$0x0], $0xffff  }
0x261: {  	v18 =	vld.idx.msk [tilespmem:v14+s16+$0x0], $0xffff  }
0x262: {  	v19 =	vor.u32 $0x4, v12;
	v14 =	vld.idx.msk [tilespmem:v14+s18+$0x0], $0xffff  }
0x263: {  	v20 =	vld.idx.msk [tilespmem:v36+s16+$0x0], $0xffff  }
0x264: {  	v21 =	vor.u32 $0x5, v12;
	v13 =	vld.idx.msk [tilespmem:v36+s18+$0x0], $0xffff  }
0x265: {  	v22 =	vld.idx.msk [tilespmem:v17+s16+$0x0], $0xffff;
	v15 =	vmul.f32 v16, v15  }
0x266: {  	v38 =	vor.u32 $0x6, v12;
	v37 =	vld.idx.msk [tilespmem:v17+s18+$0x0], $0xffff  }
0x267: {  	v23 =	vld.idx.msk [tilespmem:v19+s16+$0x0], $0xffff;
	v14 =	vmul.f32 v14, v18;
	v15 =	vadd.f32 $0.0e+00, v15  }
0x268: {  	v39 =	vor.u32 $0x7, v12;
	v19 =	vld.idx.msk [tilespmem:v19+s18+$0x0], $0xffff  }
0x269: {  	v40 =	vld.idx.msk [tilespmem:v21+s16+$0x0], $0xffff;
	v13 =	vmul.f32 v13, v20;
	v14 =	vadd.f32 v14, v15  }
0x26a: {  	v41 =	vor.u32 $0x8, v12;
	v21 =	vld.idx.msk [tilespmem:v21+s18+$0x0], $0xffff  }
0x26b: {  	v42 =	vld.idx.msk [tilespmem:v38+s16+$0x0], $0xffff;
	v16 =	vmul.f32 v37, v22;
	v13 =	vadd.f32 v13, v14  }
0x26c: {  	v43 =	vor.u32 $0x9, v12;
	v17 =	vld.idx.msk [tilespmem:v38+s18+$0x0], $0xffff  }
0x26d: {  	v44 =	vld.idx.msk [tilespmem:v39+s16+$0x0], $0xffff;
	v19 =	vmul.f32 v19, v23;
	v13 =	vadd.f32 v16, v13  }
0x26e: {  	v45 =	vor.u32 $0xA, v12;
	v18 =	vld.idx.msk [tilespmem:v39+s18+$0x0], $0xffff  }
0x26f: {  	v46 =	vld.idx.msk [tilespmem:v41+s16+$0x0], $0xffff;
	v15 =	vmul.f32 v21, v40;
	v13 =	vadd.f32 v19, v13  }
0x270: {  	v47 =	vor.u32 $0xB, v12;
	v20 =	vld.idx.msk [tilespmem:v41+s18+$0x0], $0xffff  }
0x271: {  	v48 =	vld.idx.msk [tilespmem:v43+s16+$0x0], $0xffff;
	v14 =	vmul.f32 v17, v42;
	v13 =	vadd.f32 v15, v13  }
0x272: {  	v50 =	vor.u32 $0xC, v12;
	v49 =	vld.idx.msk [tilespmem:v43+s18+$0x0], $0xffff  }
0x273: {  	v51 =	vld.idx.msk [tilespmem:v45+s16+$0x0], $0xffff;
	v16 =	vmul.f32 v18, v44;
	v13 =	vadd.f32 v14, v13  }
0x274: {  	v53 =	vor.u32 $0xD, v12;
	v52 =	vld.idx.msk [tilespmem:v45+s18+$0x0], $0xffff  }
0x275: {  	v54 =	vld.idx.msk [tilespmem:v47+s16+$0x0], $0xffff;
	v19 =	vmul.f32 v20, v46;
	v13 =	vadd.f32 v16, v13  }
0x276: {  	v56 =	vor.u32 $0xE, v12;
	v55 =	vld.idx.msk [tilespmem:v47+s18+$0x0], $0xffff  }
0x277: {  	v57 =	vld.idx.msk [tilespmem:v50+s16+$0x0], $0xffff;
	v15 =	vmul.f32 v49, v48;
	v13 =	vadd.f32 v19, v13  }
0x278: {  	v59 =	vor.u32 $0xF, v12;
	v58 =	vld.idx.msk [tilespmem:v50+s18+$0x0], $0xffff  }
0x279: {  	v60 =	vld.idx.msk [tilespmem:v53+s16+$0x0], $0xffff;
	v14 =	vmul.f32 v52, v51;
	v13 =	vadd.f32 v15, v13  }
0x27a: {  	v62 =	vor.u32 $0x10, v12;
	v61 =	vld.idx.msk [tilespmem:v53+s18+$0x0], $0xffff  }
0x27b: {  	v63 =	vld.idx.msk [tilespmem:v56+s16+$0x0], $0xffff;
	v16 =	vmul.f32 v55, v54;
	v13 =	vadd.f32 v14, v13  }
0x27c: {  	v25 =	vor.u32 $0x11, v12;
	v24 =	vld.idx.msk [tilespmem:v56+s18+$0x0], $0xffff  }
0x27d: {  	v26 =	vld.idx.msk [tilespmem:v59+s16+$0x0], $0xffff;
	v17 =	vmul.f32 v58, v57;
	v13 =	vadd.f32 v16, v13  }
0x27e: {  	v28 =	vor.u32 $0x12, v12;
	v27 =	vld.idx.msk [tilespmem:v59+s18+$0x0], $0xffff  }
0x27f: {  	v29 =	vld.idx.msk [tilespmem:v62+s16+$0x0], $0xffff;
	v15 =	vmul.f32 v61, v60;
	v13 =	vadd.f32 v17, v13  }
0x280: {  	v31 =	vor.u32 $0x13, v12;
	v30 =	vld.idx.msk [tilespmem:v62+s18+$0x0], $0xffff  }
0x281: {  	v32 =	vld.idx.msk [tilespmem:v25+s16+$0x0], $0xffff;
	v14 =	vmul.f32 v24, v63;
	v13 =	vadd.f32 v15, v13  }
0x282: {  	v34 =	vor.u32 $0x14, v12;
	v33 =	vld.idx.msk [tilespmem:v25+s18+$0x0], $0xffff  }
0x283: {  	v35 =	vld.idx.msk [tilespmem:v28+s16+$0x0], $0xffff;
	v16 =	vmul.f32 v27, v26;
	v13 =	vadd.f32 v14, v13  }
0x284: {  	v36 =	vld.idx.msk [tilespmem:v28+s18+$0x0], $0xffff;
	v37 =	vor.u32 $0x15, v12  }
0x285: {  	v38 =	vld.idx.msk [tilespmem:v31+s16+$0x0], $0xffff;
	v17 =	vmul.f32 v30, v29;
	v13 =	vadd.f32 v16, v13  }
0x286: {  	v39 =	vld.idx.msk [tilespmem:v31+s18+$0x0], $0xffff;
	v40 =	vor.u32 $0x16, v12  }
0x287: {  	v41 =	vld.idx.msk [tilespmem:v34+s16+$0x0], $0xffff;
	v15 =	vmul.f32 v33, v32;
	v13 =	vadd.f32 v17, v13  }
0x288: {  	v43 =	vor.u32 $0x17, v12;
	v42 =	vld.idx.msk [tilespmem:v34+s18+$0x0], $0xffff  }
0x289: {  	v45 =	vld.idx.msk [tilespmem:v37+s18+$0x0], $0xffff;
	v14 =	vmul.f32 v36, v35;
	v13 =	vadd.f32 v15, v13  }
0x28a: {  	v44 =	vld.idx.msk [tilespmem:v37+s16+$0x0], $0xffff;
	v46 =	vor.u32 $0x18, v12  }
0x28b: {  	v47 =	vld.idx.msk [tilespmem:v40+s16+$0x0], $0xffff;
	v16 =	vmul.f32 v39, v38;
	v13 =	vadd.f32 v14, v13  }
0x28c: {  	v48 =	vld.idx.msk [tilespmem:v40+s18+$0x0], $0xffff;
	v49 =	vor.u32 $0x19, v12  }
0x28d: {  	v50 =	vld.idx.msk [tilespmem:v43+s16+$0x0], $0xffff;
	v17 =	vmul.f32 v42, v41;
	v13 =	vadd.f32 v16, v13  }
0x28e: {  	v51 =	vld.idx.msk [tilespmem:v43+s18+$0x0], $0xffff;
	v52 =	vor.u32 $0x1A, v12  }
0x28f: {  	v53 =	vld.idx.msk [tilespmem:v46+s16+$0x0], $0xffff;
	v15 =	vmul.f32 v45, v44;
	v13 =	vadd.f32 v17, v13  }
0x290: {  	v54 =	vld.idx.msk [tilespmem:v46+s18+$0x0], $0xffff;
	v55 =	vor.u32 $0x1B, v12  }
0x291: {  	v56 =	vld.idx.msk [tilespmem:v49+s16+$0x0], $0xffff;
	v14 =	vmul.f32 v48, v47;
	v13 =	vadd.f32 v15, v13  }
0x292: {  	v58 =	vor.u32 $0x1C, v12;
	v57 =	vld.idx.msk [tilespmem:v49+s18+$0x0], $0xffff  }
0x293: {  	v59 =	vld.idx.msk [tilespmem:v52+s16+$0x0], $0xffff;
	v16 =	vmul.f32 v51, v50;
	v13 =	vadd.f32 v14, v13  }
0x294: {  	v60 =	vld.idx.msk [tilespmem:v52+s18+$0x0], $0xffff;
	v61 =	vor.u32 $0x1D, v12  }
0x295: {  	v62 =	vld.idx.msk [tilespmem:v55+s16+$0x0], $0xffff;
	v17 =	vmul.f32 v54, v53;
	v13 =	vadd.f32 v16, v13  }
0x296: {  	v63 =	vld.idx.msk [tilespmem:v55+s18+$0x0], $0xffff;
	v24 =	vor.u32 $0x1E, v12  }
0x297: {  	v25 =	vld.idx.msk [tilespmem:v58+s16+$0x0], $0xffff;
	v15 =	vmul.f32 v57, v56;
	v13 =	vadd.f32 v17, v13  }
0x298: {  	v26 =	vld.idx.msk [tilespmem:v58+s18+$0x0], $0xffff;
	v27 =	vor.u32 $0x1F, v12  }
0x299: {  	v28 =	vld.idx.msk [tilespmem:v61+s16+$0x0], $0xffff;
	v14 =	vmul.f32 v60, v59;
	v13 =	vadd.f32 v15, v13  }
0x29a: {  	v29 =	vld.idx.msk [tilespmem:v61+s18+$0x0], $0xffff;
	v30 =	vor.u32 $0x20, v12  }
0x29b: {  	v31 =	vld.idx.msk [tilespmem:v24+s16+$0x0], $0xffff;
	v16 =	vmul.f32 v63, v62;
	v13 =	vadd.f32 v14, v13  }
0x29c: {  	v32 =	vld.idx.msk [tilespmem:v24+s18+$0x0], $0xffff;
	v33 =	vor.u32 $0x21, v12  }
0x29d: {  	v34 =	vld.idx.msk [tilespmem:v27+s16+$0x0], $0xffff;
	v17 =	vmul.f32 v26, v25;
	v13 =	vadd.f32 v16, v13  }
0x29e: {  	v35 =	vld.idx.msk [tilespmem:v27+s18+$0x0], $0xffff;
	v36 =	vor.u32 $0x22, v12  }
0x29f: {  	v37 =	vld.idx.msk [tilespmem:v30+s16+$0x0], $0xffff;
	v15 =	vmul.f32 v29, v28;
	v13 =	vadd.f32 v17, v13  }
0x2a0: {  	v38 =	vld.idx.msk [tilespmem:v30+s18+$0x0], $0xffff;
	v39 =	vor.u32 $0x23, v12  }
0x2a1: {  	v40 =	vld.idx.msk [tilespmem:v33+s16+$0x0], $0xffff;
	v14 =	vmul.f32 v32, v31;
	v13 =	vadd.f32 v15, v13  }
0x2a2: {  	v41 =	vld.idx.msk [tilespmem:v33+s18+$0x0], $0xffff;
	v42 =	vor.u32 $0x24, v12  }
0x2a3: {  	v43 =	vld.idx.msk [tilespmem:v36+s16+$0x0], $0xffff;
	v16 =	vmul.f32 v35, v34;
	v13 =	vadd.f32 v14, v13  }
0x2a4: {  	v44 =	vld.idx.msk [tilespmem:v36+s18+$0x0], $0xffff;
	v45 =	vor.u32 $0x25, v12  }
0x2a5: {  	v46 =	vld.idx.msk [tilespmem:v39+s16+$0x0], $0xffff;
	v17 =	vmul.f32 v38, v37;
	v13 =	vadd.f32 v16, v13  }
0x2a6: {  	v47 =	vld.idx.msk [tilespmem:v39+s18+$0x0], $0xffff;
	v48 =	vor.u32 $0x26, v12  }
0x2a7: {  	v49 =	vld.idx.msk [tilespmem:v42+s16+$0x0], $0xffff;
	v15 =	vmul.f32 v41, v40;
	v13 =	vadd.f32 v17, v13  }
0x2a8: {  	v50 =	vld.idx.msk [tilespmem:v42+s18+$0x0], $0xffff;
	v51 =	vor.u32 $0x27, v12  }
0x2a9: {  	v52 =	vld.idx.msk [tilespmem:v45+s16+$0x0], $0xffff;
	v14 =	vmul.f32 v44, v43;
	v13 =	vadd.f32 v15, v13  }
0x2aa: {  	v53 =	vld.idx.msk [tilespmem:v45+s18+$0x0], $0xffff;
	v54 =	vor.u32 $0x28, v12  }
0x2ab: {  	v55 =	vld.idx.msk [tilespmem:v48+s16+$0x0], $0xffff;
	v16 =	vmul.f32 v47, v46;
	v13 =	vadd.f32 v14, v13  }
0x2ac: {  	v56 =	vld.idx.msk [tilespmem:v48+s18+$0x0], $0xffff;
	v57 =	vor.u32 $0x29, v12  }
0x2ad: {  	v58 =	vld.idx.msk [tilespmem:v51+s16+$0x0], $0xffff;
	v17 =	vmul.f32 v50, v49;
	v13 =	vadd.f32 v16, v13  }
0x2ae: {  	v59 =	vld.idx.msk [tilespmem:v51+s18+$0x0], $0xffff;
	v60 =	vor.u32 $0x2A, v12  }
0x2af: {  	v61 =	vld.idx.msk [tilespmem:v54+s16+$0x0], $0xffff;
	v15 =	vmul.f32 v53, v52;
	v13 =	vadd.f32 v17, v13  }
0x2b0: {  	v62 =	vld.idx.msk [tilespmem:v54+s18+$0x0], $0xffff;
	v63 =	vor.u32 $0x2B, v12  }
0x2b1: {  	v24 =	vld.idx.msk [tilespmem:v57+s16+$0x0], $0xffff;
	v14 =	vmul.f32 v56, v55;
	v13 =	vadd.f32 v15, v13  }
0x2b2: {  	v25 =	vld.idx.msk [tilespmem:v57+s18+$0x0], $0xffff;
	v26 =	vor.u32 $0x2C, v12  }
0x2b3: {  	v27 =	vld.idx.msk [tilespmem:v60+s16+$0x0], $0xffff;
	v16 =	vmul.f32 v59, v58;
	v13 =	vadd.f32 v14, v13  }
0x2b4: {  	v28 =	vld.idx.msk [tilespmem:v60+s18+$0x0], $0xffff;
	v29 =	vor.u32 $0x2D, v12  }
0x2b5: {  	v30 =	vld.idx.msk [tilespmem:v63+s16+$0x0], $0xffff;
	v17 =	vmul.f32 v62, v61;
	v13 =	vadd.f32 v16, v13  }
0x2b6: {  	v31 =	vld.idx.msk [tilespmem:v63+s18+$0x0], $0xffff;
	v32 =	vor.u32 $0x2E, v12  }
0x2b7: {  	v33 =	vld.idx.msk [tilespmem:v26+s16+$0x0], $0xffff;
	v15 =	vmul.f32 v25, v24;
	v13 =	vadd.f32 v17, v13  }
0x2b8: {  	v34 =	vld.idx.msk [tilespmem:v26+s18+$0x0], $0xffff;
	v35 =	vor.u32 $0x2F, v12  }
0x2b9: {  	v36 =	vld.idx.msk [tilespmem:v29+s16+$0x0], $0xffff;
	v14 =	vmul.f32 v28, v27;
	v13 =	vadd.f32 v15, v13  }
0x2ba: {  	v37 =	vld.idx.msk [tilespmem:v29+s18+$0x0], $0xffff;
	v38 =	vor.u32 $0x30, v12  }
0x2bb: {  	v39 =	vld.idx.msk [tilespmem:v32+s16+$0x0], $0xffff;
	v16 =	vmul.f32 v31, v30;
	v13 =	vadd.f32 v14, v13  }
0x2bc: {  	v40 =	vld.idx.msk [tilespmem:v32+s18+$0x0], $0xffff;
	v41 =	vor.u32 $0x31, v12  }
0x2bd: {  	v42 =	vld.idx.msk [tilespmem:v35+s16+$0x0], $0xffff;
	v17 =	vmul.f32 v34, v33;
	v13 =	vadd.f32 v16, v13  }
0x2be: {  	v43 =	vld.idx.msk [tilespmem:v35+s18+$0x0], $0xffff;
	v44 =	vor.u32 $0x32, v12  }
0x2bf: {  	v45 =	vld.idx.msk [tilespmem:v38+s16+$0x0], $0xffff;
	v15 =	vmul.f32 v37, v36;
	v13 =	vadd.f32 v17, v13  }
0x2c0: {  	v46 =	vld.idx.msk [tilespmem:v38+s18+$0x0], $0xffff;
	v47 =	vor.u32 $0x33, v12  }
0x2c1: {  	v48 =	vld.idx.msk [tilespmem:v41+s16+$0x0], $0xffff;
	v14 =	vmul.f32 v40, v39;
	v13 =	vadd.f32 v15, v13  }
0x2c2: {  	v49 =	vld.idx.msk [tilespmem:v41+s18+$0x0], $0xffff;
	v50 =	vor.u32 $0x34, v12  }
0x2c3: {  	v51 =	vld.idx.msk [tilespmem:v44+s16+$0x0], $0xffff;
	v16 =	vmul.f32 v43, v42;
	v13 =	vadd.f32 v14, v13  }
0x2c4: {  	v52 =	vld.idx.msk [tilespmem:v44+s18+$0x0], $0xffff;
	v53 =	vor.u32 $0x35, v12  }
0x2c5: {  	v54 =	vld.idx.msk [tilespmem:v47+s16+$0x0], $0xffff;
	v17 =	vmul.f32 v46, v45;
	v13 =	vadd.f32 v16, v13  }
0x2c6: {  	v55 =	vld.idx.msk [tilespmem:v47+s18+$0x0], $0xffff;
	v56 =	vor.u32 $0x36, v12  }
0x2c7: {  	v57 =	vld.idx.msk [tilespmem:v50+s16+$0x0], $0xffff;
	v15 =	vmul.f32 v49, v48;
	v13 =	vadd.f32 v17, v13  }
0x2c8: {  	v58 =	vld.idx.msk [tilespmem:v50+s18+$0x0], $0xffff;
	v59 =	vor.u32 $0x37, v12  }
0x2c9: {  	v60 =	vld.idx.msk [tilespmem:v53+s16+$0x0], $0xffff;
	v14 =	vmul.f32 v52, v51;
	v13 =	vadd.f32 v15, v13  }
0x2ca: {  	v61 =	vld.idx.msk [tilespmem:v53+s18+$0x0], $0xffff;
	v62 =	vor.u32 $0x38, v12  }
0x2cb: {  	v63 =	vld.idx.msk [tilespmem:v56+s16+$0x0], $0xffff;
	v16 =	vmul.f32 v55, v54;
	v13 =	vadd.f32 v14, v13  }
0x2cc: {  	v24 =	vld.idx.msk [tilespmem:v56+s18+$0x0], $0xffff;
	v25 =	vor.u32 $0x39, v12  }
0x2cd: {  	v26 =	vld.idx.msk [tilespmem:v59+s16+$0x0], $0xffff;
	v17 =	vmul.f32 v58, v57;
	v13 =	vadd.f32 v16, v13  }
0x2ce: {  	v27 =	vld.idx.msk [tilespmem:v59+s18+$0x0], $0xffff;
	v28 =	vor.u32 $0x3A, v12  }
0x2cf: {  	v29 =	vld.idx.msk [tilespmem:v62+s16+$0x0], $0xffff;
	v15 =	vmul.f32 v61, v60;
	v13 =	vadd.f32 v17, v13  }
0x2d0: {  	v30 =	vld.idx.msk [tilespmem:v62+s18+$0x0], $0xffff;
	v31 =	vor.u32 $0x3B, v12  }
0x2d1: {  	v32 =	vld.idx.msk [tilespmem:v25+s16+$0x0], $0xffff;
	v14 =	vmul.f32 v24, v63;
	v13 =	vadd.f32 v15, v13  }
0x2d2: {  	v33 =	vld.idx.msk [tilespmem:v25+s18+$0x0], $0xffff;
	v34 =	vor.u32 $0x3C, v12  }
0x2d3: {  	v35 =	vld.idx.msk [tilespmem:v28+s16+$0x0], $0xffff;
	v16 =	vmul.f32 v27, v26;
	v13 =	vadd.f32 v14, v13  }
0x2d4: {  	v36 =	vld.idx.msk [tilespmem:v28+s18+$0x0], $0xffff;
	v37 =	vor.u32 $0x3D, v12  }
0x2d5: {  	v38 =	vld.idx.msk [tilespmem:v31+s16+$0x0], $0xffff;
	v17 =	vmul.f32 v30, v29;
	v13 =	vadd.f32 v16, v13  }
0x2d6: {  	v39 =	vld.idx.msk [tilespmem:v31+s18+$0x0], $0xffff;
	v40 =	vor.u32 $0x3E, v12  }
0x2d7: {  	v41 =	vld.idx.msk [tilespmem:v34+s16+$0x0], $0xffff;
	v15 =	vmul.f32 v33, v32;
	v13 =	vadd.f32 v17, v13  }
0x2d8: {  	v12 =	vor.u32 $0x3F, v12;
	v42 =	vld.idx.msk [tilespmem:v34+s18+$0x0], $0xffff  }
0x2d9: {  	v43 =	vld.idx.msk [tilespmem:v37+s16+$0x0], $0xffff;
	v14 =	vmul.f32 v36, v35;
	v13 =	vadd.f32 v15, v13  }
0x2da: {  	v10 =	vadd.f32 v11, v10;
	v44 =	vld.idx.msk [tilespmem:v37+s18+$0x0], $0xffff  }
0x2db: {  	v6 =	vmul.f32 v9, v6;
	v46 =	vmul.f32 v39, v38;
	v47 =	vld.idx.msk [tilespmem:v40+s16+$0x0], $0xffff;
	v45 =	vadd.f32 v14, v13  }
0x2dc: {  	v5 =	vmul.f32 v7, v5;
	v48 =	vld.idx.msk [tilespmem:v40+s18+$0x0], $0xffff  }
0x2dd: {  	v6 =	vadd.f32 v6, v10;
	v49 =	vld.idx.msk [tilespmem:v12+s16+$0x0], $0xffff;
	v50 =	vmul.f32 v42, v41;
	v11 =	vadd.f32 v46, v45  }
0x2de: {  	v3 =	vmul.f32 v8, v3;
	v51 =	vld.idx.msk [tilespmem:v12+s18+$0x0], $0xffff  }
0x2df: {  	s19 =	sadd.s32 $0x10, s30;
	v5 =	vadd.f32 v5, v6;
	v9 =	vmul.f32 v44, v43;
	v52 =	vadd.f32 v50, v11  }
0x2e0: {  	v2 =	vmul.f32 v2, v4;
	v53 =	vld [tilespmem:s19+$0x0];
	s19 =	sadd.s32 $0x10, s19  }
0x2e1: {  	s2 =	sadd.s32 $0x10, s2;
	v3 =	vadd.f32 v3, v5;
	v56 =	vld [tilespmem:s19+$0x0];
	v7 =	vmul.f32 v48, v47;
	v55 =	vadd.f32 v9, v52  }
0x2e2: {  	v54 =	vld [tilespmem:s2+$0x0];
	s2 =	sadd.s32 $0x10, s2  }
0x2e3: {  	s29 =	sadd.s32 $0x10, s29;
	v2 =	vadd.f32 v2, v3;
	v59 =	vld [tilespmem:s2+$0x0];
	v58 =	vmul.f32 v51, v49;
	v3 =	vadd.f32 v7, v55  }
0x2e4: {  	s28 =	sadd.s32 $0x10, s28;
	v57 =	vld [tilespmem:s29+$0x0]  }
0x2e5: {  	v2 =	vadd.f32 v2, v53;
	s29 =	sadd.s32 $0x10, s29;
	v60 =	vld [tilespmem:s28+$0x0];
	v3 =	vadd.f32 v58, v3  }
0x2e6: {  	v61 =	vld [tilespmem:s29+$0x0]  }
0x2e7: {  	s30 =	sadd.s32 $0x10, s28;
	v2 =	vadd.f32 v2, v54;
	v3 =	vadd.f32 v3, v56  }
0x2e8: {  	v62 =	vld [tilespmem:s30+$0x0]  }
0x2e9: {  	v2 =	vsub.f32 v2, v57;
	v3 =	vadd.f32 v3, v59;
	_ =	sdelay $0x1  }
0x2ea: {  	v63 =	vmul.f32 v2, v60;
	v3 =	vsub.f32 v3, v61;
	_ =	sdelay $0x1  }
0x2eb: {  	v2 =	vmul.f32 v63, v2;
	v4 =	vmul.f32 v3, v62;
	_ =	sdelay $0x1  }
0x2ec: {  	v1 =	vadd.f32 v2, v1;
	v2 =	vmul.f32 v4, v3;
	_ =	sdelay $0x1  }
0x2ed: {  	s25 =	sadd.s32 $0x1, s25;
	v1 =	vadd.f32 v2, v1  }
0x2ee: {  	p0 =	sne.s32 s25, s12  }
.Ltmp1:
0x2ef: {  	[tilespmem:$0x10C00] =	vst v1;
	(pc) =	sbr.rel @p0 .LBB2_1-.Ltmp1, $4  }
0x2f0: {  	[hbm4b:s11+s4] =	stream.linear.scatter [tilespmem:s23], [sflag:$0x2], $0x10, $0x38;
	[tilespmem:$0x10C10] =	vst v63  }
0x2f1: {  	_ =	swait.ge [sflag:s13], $0x10  }
0x2f2: {  	[sflag:s13] =	ssyncset.done $0x0  }
0x2f3: {  	[sflag:s13] =	ssyncadd.s32 $0xFFFFFFF0  }
0x2f4: {  	_ =	sfence.sel $0x180000  }
0x2f5: {  	[bflag:$0x0] =	sbarrier.arrive $0xFFFF  }
0x2f6: {  	_ =	strace $0x90000047  }
0x2f7: {  	s0 =	stileid.u32;
	[bflag:$0x2] =	sbarrier.arrive $0xFFFF  }
0x2f8: {  	p0 =	sne.s32 s0, $0x0;
	s0 =	rddreg [dreg:$0x6]  }
0x2f9: {  	s0 =	sadd.s32 @!p0 $0x100000, s0  }
0x2fa: {  	[sflag:s0] =	ssyncadd.tile.s32 @!p0 $0x1;
	_ =	shalt  }
.Lfunc_end2:
_tile_overlayer_lowered:
.L_overlay_start_2:
0x2fb: {  	(tag) =	ssettag $0x2  }
0x2fc: {  	s0 =	rddreg [dreg:$0x0];
	s2 =	stileid.u32  }
0x2fd: {  	s1 =	rddreg [dreg:$0x1];
	p0 =	sne.s32 s2, $0x0  }
0x2fe: {  	s3 =	rddreg [dreg:$0x2];
	[bflag:$0x3] =	sbarrier.arrive $0xFFFF;
	s2 =	simm.s32 @!p0 $0x1C02  }
0x2ff: {  	[timem:s3], [sflag:s2] =	dma.local @!p0 [hbm:s0], s1  }
0x300: {  	s0 =	simm.s32 @!p0 $0x2  }
0x301: {  	_ =	swait.ge @!p0 [sflag:s0], s1  }
0x302: {  	s1 =	ssub.s32 @!p0 $0x0, s1;
	[sflag:s0] =	ssyncset.done @!p0 $0x0  }
0x303: {  	[sflag:s0] =	ssyncadd.s32 @!p0 s1  }
0x304: {  	[bflag:$0x3] =	sbarrier.arrive $0xFFFF  }
0x305: {  	_ =	shalt  }

</sc_bundles>
